<compile_context>
chip_gen: v7x
topology: tpu7x:2x2x1
jax: 0.10.2.dev20260603
libtpu: 0.0.44.dev20260713+nightly
codegen_flags: <defaults>
</compile_context>

<pallas_src>
import functools

import jax
import jax.numpy as jnp
import numpy as np
from jax import lax
from jax.experimental import pallas as pl
from jax.experimental.pallas import tpu as pltpu
from jax.experimental.pallas import tpu_sc as plsc

N_NODES = 10000
N_EDGES = 320000
F = 128

NC = 2
NS = 16
NW = NC * NS
B = 112

E_PAD = ((N_EDGES + NW * B - 1) // (NW * B)) * (NW * B)
NB = E_PAD // (NW * B)
N_ACC = ((N_NODES + 1 + NS * 128 - 1) // (NS * 128)) * (NS * 128)
TROWS = N_ACC // NS
NBC = 18
NCH = NB // NBC

_PAD_IDS = (np.arange(E_PAD - N_EDGES, dtype=np.int32) & 127)
_EI_PAD = np.stack([_PAD_IDS, _PAD_IDS])

_mesh = plsc.VectorSubcoreMesh(
    core_axis_name="c", subcore_axis_name="s", num_cores=NC, num_subcores=NS
)


@functools.partial(
    pl.kernel,
    out_type=(
        jax.ShapeDtypeStruct((NC * N_ACC,), jnp.float32),
        jax.ShapeDtypeStruct((NW, NB, B), jnp.int32),
    ),
    mesh=_mesh,
    scratch_types=[
        pltpu.VMEM((NB, B), jnp.int32),
        pltpu.VMEM((NB, B), jnp.int32),
        pltpu.VMEM((B,), jnp.float32),
        pltpu.VMEM((TROWS,), jnp.float32),
        pltpu.VMEM_SHARED((N_ACC,), jnp.float32),
    ],
)
def _sc_deg(ei_hbm, deg_hbm, dest_hbm, row_v, dest_v, ones_v, zv, deg_sh):
    c = lax.axis_index("c")
    s = lax.axis_index("s")
    w = c * NS + s

    pltpu.sync_copy(ei_hbm.at[0, w], row_v)
    pltpu.sync_copy(ei_hbm.at[1, w], dest_v)

    one16 = jnp.ones((16,), jnp.float32)
    zero16 = jnp.zeros((16,), jnp.float32)
    for g in range(B // 16):
        ones_v[pl.ds(g * 16, 16)] = one16

    def zfill(k, carry):
        zv[pl.ds(k * 16, 16)] = zero16
        return carry

    lax.fori_loop(0, TROWS // 16, zfill, 0)
    pltpu.sync_copy(zv, deg_sh.at[pl.ds(s * TROWS, TROWS)])

    nsplat = jnp.full((16,), N_NODES, jnp.int32)
    m127 = jnp.full((16,), 127, jnp.int32)

    def mask_body(j, carry):
        for g in range(B // 16):
            r = row_v[j, pl.ds(g * 16, 16)]
            cc = dest_v[j, pl.ds(g * 16, 16)]
            dest_v[j, pl.ds(g * 16, 16)] = jnp.where(r == cc, nsplat + (r & m127), r)
        return carry

    lax.fori_loop(0, NB, mask_body, 0)
    pltpu.sync_copy(dest_v, dest_hbm.at[w])

    plsc.subcore_barrier()

    def add_body(j, carry):
        pltpu.sync_copy(ones_v, deg_sh.at[dest_v.at[j]], add=True)
        return carry

    lax.fori_loop(0, NB, add_body, 0)

    plsc.subcore_barrier()
    pltpu.sync_copy(
        deg_sh.at[pl.ds(s * TROWS, TROWS)],
        deg_hbm.at[pl.ds(c * N_ACC + s * TROWS, TROWS)],
    )


@functools.partial(
    pl.kernel,
    out_type=jax.ShapeDtypeStruct((NC * N_ACC, F), jnp.float32),
    mesh=_mesh,
    scratch_types=[
        pltpu.VMEM((NBC, B), jnp.int32),
        pltpu.VMEM((NBC, B), jnp.int32),
        pltpu.VMEM((B, F), jnp.float32),
        pltpu.VMEM((B, F), jnp.float32),
        pltpu.VMEM((B, F), jnp.float32),
        pltpu.VMEM_SHARED((N_ACC, F), jnp.float32),
        pltpu.SemaphoreType.DMA,
        pltpu.SemaphoreType.DMA,
        pltpu.SemaphoreType.DMA,
        pltpu.SemaphoreType.DMA,
        pltpu.SemaphoreType.DMA,
        pltpu.SemaphoreType.DMA,
    ],
)
def _sc_spmm(h2_hbm, ei_hbm, dest_hbm, zinit_hbm, acc_hbm,
             col_v, dest_v, gb0, gb1, gb2, acc_sh,
             gs0, gs1, gs2, ss0, ss1, ss2):
    c = lax.axis_index("c")
    s = lax.axis_index("s")
    w = c * NS + s

    pltpu.sync_copy(zinit_hbm, acc_sh.at[pl.ds(s * TROWS, TROWS)])
    plsc.subcore_barrier()

    gbuf = (gb0, gb1, gb2)
    gsem = (gs0, gs1, gs2)
    ssem = (ss0, ss1, ss2)

    def gather(j, r):
        return pltpu.make_async_copy(h2_hbm.at[col_v.at[j]], gbuf[r], gsem[r])

    def scat(j, r):
        return pltpu.make_async_copy(gbuf[r], acc_sh.at[dest_v.at[j]], ssem[r])

    def chunk(h, carry):
        pltpu.sync_copy(ei_hbm.at[1, w, h], col_v)
        pltpu.sync_copy(dest_hbm.at[w, h], dest_v)

        gather(0, 0).start()
        gather(1, 1).start()
        gather(0, 0).wait()
        scat(0, 0).start(add=True)
        gather(2, 2).start()
        gather(1, 1).wait()
        scat(1, 1).start(add=True)
        scat(0, 0).wait()
        gather(3, 0).start()
        gather(2, 2).wait()
        scat(2, 2).start(add=True)
        scat(1, 1).wait()
        gather(4, 1).start()

        def body(k, cc):
            j0 = 3 * k
            gather(j0, 0).wait()
            scat(j0, 0).start(add=True)
            scat(j0 - 1, 2).wait()
            gather(j0 + 2, 2).start()
            gather(j0 + 1, 1).wait()
            scat(j0 + 1, 1).start(add=True)
            scat(j0, 0).wait()
            gather(j0 + 3, 0).start()
            gather(j0 + 2, 2).wait()
            scat(j0 + 2, 2).start(add=True)
            scat(j0 + 1, 1).wait()
            gather(j0 + 4, 1).start()
            return cc

        lax.fori_loop(1, NBC // 3 - 1, body, 0)

        j0 = NBC - 3
        gather(j0, 0).wait()
        scat(j0, 0).start(add=True)
        scat(j0 - 1, 2).wait()
        gather(j0 + 2, 2).start()
        gather(j0 + 1, 1).wait()
        scat(j0 + 1, 1).start(add=True)
        scat(j0, 0).wait()
        gather(j0 + 2, 2).wait()
        scat(j0 + 2, 2).start(add=True)
        scat(j0 + 1, 1).wait()
        scat(j0 + 2, 2).wait()
        return carry

    lax.fori_loop(0, NCH, chunk, 0)

    plsc.subcore_barrier()
    pltpu.sync_copy(
        acc_sh.at[pl.ds(s * TROWS, TROWS)],
        acc_hbm.at[pl.ds(c * N_ACC + s * TROWS, TROWS)],
    )


_RB = 1000


def _tc_h2_body(x_ref, w_ref, deg_ref, h2_ref):
    h = jnp.dot(x_ref[...], w_ref[...], preferred_element_type=jnp.float32)
    deg = deg_ref[:, 0] + deg_ref[:, 1] + 1.0
    dis = lax.rsqrt(deg)
    h2_ref[...] = h * dis[:, None]


_tc_h2 = pl.pallas_call(
    _tc_h2_body,
    grid=(N_NODES // _RB,),
    in_specs=[
        pl.BlockSpec((_RB, F), lambda i: (i, 0)),
        pl.BlockSpec((F, F), lambda i: (0, 0)),
        pl.BlockSpec((_RB, NC), lambda i: (i, 0)),
    ],
    out_specs=pl.BlockSpec((_RB, F), lambda i: (i, 0)),
    out_shape=jax.ShapeDtypeStruct((N_NODES, F), jnp.float32),
)


def _tc_out_body(acc_ref, h2_ref, deg_ref, b_ref, o_ref):
    acc = acc_ref[0] + acc_ref[1]
    deg = deg_ref[:, 0] + deg_ref[:, 1] + 1.0
    dis = lax.rsqrt(deg)
    o_ref[...] = (acc + h2_ref[...]) * dis[:, None] + b_ref[...]


_tc_out = pl.pallas_call(
    _tc_out_body,
    grid=(N_NODES // _RB,),
    in_specs=[
        pl.BlockSpec((NC, _RB, F), lambda i: (0, i, 0)),
        pl.BlockSpec((_RB, F), lambda i: (i, 0)),
        pl.BlockSpec((_RB, NC), lambda i: (i, 0)),
        pl.BlockSpec((1, F), lambda i: (0, 0)),
    ],
    out_specs=pl.BlockSpec((_RB, F), lambda i: (i, 0)),
    out_shape=jax.ShapeDtypeStruct((N_NODES, F), jnp.float32),
)


def kernel(x, edge_index, weight, bias):
    assert x.shape == (N_NODES, F) and edge_index.shape == (2, N_EDGES)
    ei_p = jnp.concatenate([edge_index, _EI_PAD], axis=1).reshape(2, NW, NB, B)

    deg_parts, dest = _sc_deg(ei_p)
    ei5 = ei_p.reshape(2, NW, NCH, NBC, B)
    dest5 = dest.reshape(NW, NCH, NBC, B)
    deg_parts = deg_parts.reshape(NC, N_ACC)
    deg2 = jnp.stack([deg_parts[0, :N_NODES], deg_parts[1, :N_NODES]], axis=1)

    h2 = _tc_h2(x, weight, deg2)

    zinit = jnp.zeros((TROWS, F), jnp.float32)
    acc_parts = _sc_spmm(h2, ei5, dest5, zinit).reshape(NC, N_ACC, F)

    out = _tc_out(acc_parts, h2, deg2, bias.reshape(1, F))
    return out

# --- scband reference (transcript-rebuilt; emitter-appended) ---
"""Pipeline reference for scband-gcnconv-81020263072096 (READ-ONLY COPY).

The authoritative reference and input builder live on the scoring server;
editing this copy changes nothing except your own understanding.
"""

import jax, jax.numpy as jnp
import numpy as np

N_NODES = 10000
N_EDGES = 320000
IN_CH = 128
OUT_CH = 128
IMPROVED = False


def setup_inputs(seed: int = 0) -> dict:
    key = jax.random.key(seed)
    k1, k2, k3 = jax.random.split(key, 3)
    x = jax.random.normal(k1, (N_NODES, IN_CH), dtype=jnp.float32)
    edge_index = jax.random.randint(k2, (2, N_EDGES), 0, N_NODES, dtype=jnp.int32)
    # glorot-initialized weight, zero bias (per reset_parameters)
    scale = jnp.sqrt(6.0 / (IN_CH + OUT_CH)).astype(jnp.float32)
    weight = jax.random.uniform(k3, (IN_CH, OUT_CH), dtype=jnp.float32, minval=-1.0, maxval=1.0) * scale
    bias = jnp.zeros((OUT_CH,), dtype=jnp.float32)
    return {"x": x, "edge_index": edge_index, "weight": weight, "bias": bias}


def reference(x, edge_index, weight, bias):
    N = x.shape[0]
    row, col = edge_index[0], edge_index[1]
    # remove_self_loops: equivalent to zeroing the attr of self-loop edges
    # (they then contribute nothing to degree sums or the spmm)
    edge_attr = (row != col).astype(x.dtype)
    # add_self_loops with loop value 1 (2 if improved)
    loop_idx = jnp.arange(N, dtype=row.dtype)
    row_full = jnp.concatenate([row, loop_idx])
    col_full = jnp.concatenate([col, loop_idx])
    loop_val = jnp.full((N,), 2.0 if IMPROVED else 1.0, dtype=x.dtype)
    attr = jnp.concatenate([edge_attr, loop_val])
    # symmetric normalization
    deg = jax.ops.segment_sum(attr, row_full, num_segments=N)
    deg_inv_sqrt = jnp.where(deg > 0, deg ** -0.5, 0.0)
    norm = deg_inv_sqrt[row_full] * attr * deg_inv_sqrt[col_full]
    # dense transform then spmm: out[row] += norm * h[col]
    h = x @ weight
    out = jax.ops.segment_sum(norm[:, None] * h[col_full], row_full, num_segments=N)
    out = out + bias
    return out

if __name__ == "__main__":
    import jax
    _d = setup_inputs()
    print(jax.jit(kernel)(*tuple(_d.values())))

</pallas_src>

<mosaic_0001>
#map = affine_map<(d0, d1) -> (0, 0, 0, 0)>
#map1 = affine_map<(d0, d1) -> (0)>
#map2 = affine_map<(d0, d1) -> (0, 0, 0)>
module attributes {stable_mosaic.version = 14 : i64} {
  func.func @_sc_deg(%arg0: i32, %arg1: i32, %arg2: memref<2x32x90x112xi32, #tpu.memory_space<hbm>>, %arg3: memref<20480xf32, #tpu.memory_space<hbm>>, %arg4: memref<32x90x112xi32, #tpu.memory_space<hbm>>, %arg5: memref<90x112xi32, #tpu.memory_space<vmem>>, %arg6: memref<90x112xi32, #tpu.memory_space<vmem>>, %arg7: memref<112xf32, #tpu.memory_space<vmem>>, %arg8: memref<640xf32, #tpu.memory_space<vmem>>, %arg9: memref<10240xf32, #tpu.memory_space<vmem_shared>>) attributes {dimension_semantics = [#tpu.dimension_semantics<core_parallel>, #tpu.dimension_semantics<subcore_parallel>], iteration_bounds = array<i64: 2, 16>, scalar_prefetch = 0 : i64, scratch_operands = 5 : i64, tpu.core_type = #tpu.core_type<sc_vector_subcore>, window_params = [{transform_indices = #map}, {transform_indices = #map1}, {transform_indices = #map2}]} {
    %mul3A = arith.constant 16 : i32
    %mul3A_0 = arith.muli %arg0, %mul3A : i32
    %add3A = arith.addi %mul3A_0, %arg1 : i32
    %run_scoped3A = arith.constant 0 : i32
    "tpu.region"() ({
      %run_scoped3A_63 = tpu.sem_alloc : memref<!tpu.dma_semaphore, #tpu.memory_space<semaphore_mem>>
      %dma_start3A = arith.constant 0 : i32
      %dma_start3A_64 = arith.constant 0 : i32
      %dma_start3A_65 = tpu.memref_slice %arg2[%run_scoped3A, %add3A, %dma_start3A, %dma_start3A_64] : memref<2x32x90x112xi32, #tpu.memory_space<hbm>> -> memref<1x1x90x112xi32, #tpu.memory_space<hbm>>
      %dma_start3A_66 = tpu.memref_squeeze %dma_start3A_65 : memref<1x1x90x112xi32, #tpu.memory_space<hbm>> -> memref<90x112xi32, #tpu.memory_space<hbm>>
      %dma_start3A_67 = arith.constant 0 : i32
      %dma_start3A_68 = arith.constant 0 : i32
      %dma_start3A_69 = tpu.memref_slice %arg2[%run_scoped3A, %add3A, %dma_start3A_67, %dma_start3A_68] : memref<2x32x90x112xi32, #tpu.memory_space<hbm>> -> memref<1x1x90x112xi32, #tpu.memory_space<hbm>>
      %dma_start3A_70 = tpu.memref_squeeze %dma_start3A_69 : memref<1x1x90x112xi32, #tpu.memory_space<hbm>> -> memref<90x112xi32, #tpu.memory_space<hbm>>
      tpu.enqueue_dma source(%dma_start3A_70 : memref<90x112xi32, #tpu.memory_space<hbm>>) target(%arg5 : memref<90x112xi32, #tpu.memory_space<vmem>>) target_semaphore(%run_scoped3A_63 : memref<!tpu.dma_semaphore, #tpu.memory_space<semaphore_mem>>)
      %dma_wait3A = arith.constant 0 : i32
      %dma_wait3A_71 = arith.constant 0 : i32
      %dma_wait3A_72 = tpu.memref_slice %arg2[%run_scoped3A, %add3A, %dma_wait3A, %dma_wait3A_71] : memref<2x32x90x112xi32, #tpu.memory_space<hbm>> -> memref<1x1x90x112xi32, #tpu.memory_space<hbm>>
      %dma_wait3A_73 = tpu.memref_squeeze %dma_wait3A_72 : memref<1x1x90x112xi32, #tpu.memory_space<hbm>> -> memref<90x112xi32, #tpu.memory_space<hbm>>
      %dma_wait3A_74 = arith.constant 0 : i32
      %dma_wait3A_75 = arith.constant 0 : i32
      %dma_wait3A_76 = tpu.memref_slice %arg2[%run_scoped3A, %add3A, %dma_wait3A_74, %dma_wait3A_75] : memref<2x32x90x112xi32, #tpu.memory_space<hbm>> -> memref<1x1x90x112xi32, #tpu.memory_space<hbm>>
      %dma_wait3A_77 = tpu.memref_squeeze %dma_wait3A_76 : memref<1x1x90x112xi32, #tpu.memory_space<hbm>> -> memref<90x112xi32, #tpu.memory_space<hbm>>
      tpu.wait_dma2 semaphore(%run_scoped3A_63 : memref<!tpu.dma_semaphore, #tpu.memory_space<semaphore_mem>>) src(%dma_wait3A_77 : memref<90x112xi32, #tpu.memory_space<hbm>>) dst(%arg5 : memref<90x112xi32, #tpu.memory_space<vmem>>)
      tpu.yield
    }) : () -> ()
    %run_scoped3A_1 = arith.constant 1 : i32
    "tpu.region"() ({
      %run_scoped3A_63 = tpu.sem_alloc : memref<!tpu.dma_semaphore, #tpu.memory_space<semaphore_mem>>
      %dma_start3A = arith.constant 0 : i32
      %dma_start3A_64 = arith.constant 0 : i32
      %dma_start3A_65 = tpu.memref_slice %arg2[%run_scoped3A_1, %add3A, %dma_start3A, %dma_start3A_64] : memref<2x32x90x112xi32, #tpu.memory_space<hbm>> -> memref<1x1x90x112xi32, #tpu.memory_space<hbm>>
      %dma_start3A_66 = tpu.memref_squeeze %dma_start3A_65 : memref<1x1x90x112xi32, #tpu.memory_space<hbm>> -> memref<90x112xi32, #tpu.memory_space<hbm>>
      %dma_start3A_67 = arith.constant 0 : i32
      %dma_start3A_68 = arith.constant 0 : i32
      %dma_start3A_69 = tpu.memref_slice %arg2[%run_scoped3A_1, %add3A, %dma_start3A_67, %dma_start3A_68] : memref<2x32x90x112xi32, #tpu.memory_space<hbm>> -> memref<1x1x90x112xi32, #tpu.memory_space<hbm>>
      %dma_start3A_70 = tpu.memref_squeeze %dma_start3A_69 : memref<1x1x90x112xi32, #tpu.memory_space<hbm>> -> memref<90x112xi32, #tpu.memory_space<hbm>>
      tpu.enqueue_dma source(%dma_start3A_70 : memref<90x112xi32, #tpu.memory_space<hbm>>) target(%arg6 : memref<90x112xi32, #tpu.memory_space<vmem>>) target_semaphore(%run_scoped3A_63 : memref<!tpu.dma_semaphore, #tpu.memory_space<semaphore_mem>>)
      %dma_wait3A = arith.constant 0 : i32
      %dma_wait3A_71 = arith.constant 0 : i32
      %dma_wait3A_72 = tpu.memref_slice %arg2[%run_scoped3A_1, %add3A, %dma_wait3A, %dma_wait3A_71] : memref<2x32x90x112xi32, #tpu.memory_space<hbm>> -> memref<1x1x90x112xi32, #tpu.memory_space<hbm>>
      %dma_wait3A_73 = tpu.memref_squeeze %dma_wait3A_72 : memref<1x1x90x112xi32, #tpu.memory_space<hbm>> -> memref<90x112xi32, #tpu.memory_space<hbm>>
      %dma_wait3A_74 = arith.constant 0 : i32
      %dma_wait3A_75 = arith.constant 0 : i32
      %dma_wait3A_76 = tpu.memref_slice %arg2[%run_scoped3A_1, %add3A, %dma_wait3A_74, %dma_wait3A_75] : memref<2x32x90x112xi32, #tpu.memory_space<hbm>> -> memref<1x1x90x112xi32, #tpu.memory_space<hbm>>
      %dma_wait3A_77 = tpu.memref_squeeze %dma_wait3A_76 : memref<1x1x90x112xi32, #tpu.memory_space<hbm>> -> memref<90x112xi32, #tpu.memory_space<hbm>>
      tpu.wait_dma2 semaphore(%run_scoped3A_63 : memref<!tpu.dma_semaphore, #tpu.memory_space<semaphore_mem>>) src(%dma_wait3A_77 : memref<90x112xi32, #tpu.memory_space<hbm>>) dst(%arg6 : memref<90x112xi32, #tpu.memory_space<vmem>>)
      tpu.yield
    }) : () -> ()
    %broadcast_in_dim3A = arith.constant 1.000000e+00 : f32
    %broadcast_in_dim3A_2 = vector.broadcast %broadcast_in_dim3A : f32 to vector<16xf32>
    %broadcast_in_dim3A_3 = arith.constant 0.000000e+00 : f32
    %broadcast_in_dim3A_4 = vector.broadcast %broadcast_in_dim3A_3 : f32 to vector<16xf32>
    %swap3A = arith.constant 0 : index
    %swap3A_5 = tpu.vector_load %arg7[%swap3A] {strides = array<i32>} : memref<112xf32, #tpu.memory_space<vmem>>, vector<16xf32>,
    %swap3A_6 = vector.shape_cast %swap3A_5 : vector<16xf32> to vector<16xf32>
    %swap3A_7 = vector.shape_cast %broadcast_in_dim3A_2 : vector<16xf32> to vector<16xf32>
    tpu.vector_store %arg7[%swap3A], %swap3A_7 {strides = array<i32>} : memref<112xf32, #tpu.memory_space<vmem>>, vector<16xf32>,
    %swap3A_8 = arith.constant 16 : index
    %swap3A_9 = tpu.vector_load %arg7[%swap3A_8] {strides = array<i32>} : memref<112xf32, #tpu.memory_space<vmem>>, vector<16xf32>,
    %swap3A_10 = vector.shape_cast %swap3A_9 : vector<16xf32> to vector<16xf32>
    %swap3A_11 = vector.shape_cast %broadcast_in_dim3A_2 : vector<16xf32> to vector<16xf32>
    tpu.vector_store %arg7[%swap3A_8], %swap3A_11 {strides = array<i32>} : memref<112xf32, #tpu.memory_space<vmem>>, vector<16xf32>,
    %swap3A_12 = arith.constant 32 : index
    %swap3A_13 = tpu.vector_load %arg7[%swap3A_12] {strides = array<i32>} : memref<112xf32, #tpu.memory_space<vmem>>, vector<16xf32>,
    %swap3A_14 = vector.shape_cast %swap3A_13 : vector<16xf32> to vector<16xf32>
    %swap3A_15 = vector.shape_cast %broadcast_in_dim3A_2 : vector<16xf32> to vector<16xf32>
    tpu.vector_store %arg7[%swap3A_12], %swap3A_15 {strides = array<i32>} : memref<112xf32, #tpu.memory_space<vmem>>, vector<16xf32>,
    %swap3A_16 = arith.constant 48 : index
    %swap3A_17 = tpu.vector_load %arg7[%swap3A_16] {strides = array<i32>} : memref<112xf32, #tpu.memory_space<vmem>>, vector<16xf32>,
    %swap3A_18 = vector.shape_cast %swap3A_17 : vector<16xf32> to vector<16xf32>
    %swap3A_19 = vector.shape_cast %broadcast_in_dim3A_2 : vector<16xf32> to vector<16xf32>
    tpu.vector_store %arg7[%swap3A_16], %swap3A_19 {strides = array<i32>} : memref<112xf32, #tpu.memory_space<vmem>>, vector<16xf32>,
    %swap3A_20 = arith.constant 64 : index
    %swap3A_21 = tpu.vector_load %arg7[%swap3A_20] {strides = array<i32>} : memref<112xf32, #tpu.memory_space<vmem>>, vector<16xf32>,
    %swap3A_22 = vector.shape_cast %swap3A_21 : vector<16xf32> to vector<16xf32>
    %swap3A_23 = vector.shape_cast %broadcast_in_dim3A_2 : vector<16xf32> to vector<16xf32>
    tpu.vector_store %arg7[%swap3A_20], %swap3A_23 {strides = array<i32>} : memref<112xf32, #tpu.memory_space<vmem>>, vector<16xf32>,
    %swap3A_24 = arith.constant 80 : index
    %swap3A_25 = tpu.vector_load %arg7[%swap3A_24] {strides = array<i32>} : memref<112xf32, #tpu.memory_space<vmem>>, vector<16xf32>,
    %swap3A_26 = vector.shape_cast %swap3A_25 : vector<16xf32> to vector<16xf32>
    %swap3A_27 = vector.shape_cast %broadcast_in_dim3A_2 : vector<16xf32> to vector<16xf32>
    tpu.vector_store %arg7[%swap3A_24], %swap3A_27 {strides = array<i32>} : memref<112xf32, #tpu.memory_space<vmem>>, vector<16xf32>,
    %swap3A_28 = arith.constant 96 : index
    %swap3A_29 = tpu.vector_load %arg7[%swap3A_28] {strides = array<i32>} : memref<112xf32, #tpu.memory_space<vmem>>, vector<16xf32>,
    %swap3A_30 = vector.shape_cast %swap3A_29 : vector<16xf32> to vector<16xf32>
    %swap3A_31 = vector.shape_cast %broadcast_in_dim3A_2 : vector<16xf32> to vector<16xf32>
    tpu.vector_store %arg7[%swap3A_28], %swap3A_31 {strides = array<i32>} : memref<112xf32, #tpu.memory_space<vmem>>, vector<16xf32>,
    %scan3A = arith.constant 0 : i32
    %scan3A_32 = arith.constant 0 : i32
    %scan3A_33 = arith.constant 40 : i32
    %scan3A_34 = arith.addi %scan3A_32, %scan3A_33 : i32
    %scan3A_35 = arith.constant 1 : i32
    scf.for %scan3A_63 = %scan3A_32 to %scan3A_34 step %scan3A_35  : i32 {
      %mul3A_64 = arith.constant 16 : i32
      %mul3A_65 = arith.muli %scan3A_63, %mul3A_64 : i32
      %swap3A_66 = arith.index_cast %mul3A_65 : i32 to index
      %swap3A_67 = tpu.vector_load %arg8[%swap3A_66] {strides = array<i32>} : memref<640xf32, #tpu.memory_space<vmem>>, vector<16xf32>,
      %swap3A_68 = vector.shape_cast %swap3A_67 : vector<16xf32> to vector<16xf32>
      %swap3A_69 = vector.shape_cast %broadcast_in_dim3A_4 : vector<16xf32> to vector<16xf32>
      tpu.vector_store %arg8[%swap3A_66], %swap3A_69 {strides = array<i32>} : memref<640xf32, #tpu.memory_space<vmem>>, vector<16xf32>,
    }
    %scan3A_36 = arith.constant 40 : i32
    %mul3A_37 = arith.constant 640 : i32
    %mul3A_38 = arith.muli %arg1, %mul3A_37 : i32
    "tpu.region"() ({
      %run_scoped3A_63 = tpu.sem_alloc : memref<!tpu.dma_semaphore, #tpu.memory_space<semaphore_mem>>
      %dma_start3A = tpu.memref_slice %arg9[%mul3A_38] : memref<10240xf32, #tpu.memory_space<vmem_shared>> -> memref<640xf32, #tpu.memory_space<vmem_shared>>
      %dma_start3A_64 = tpu.memref_slice %arg9[%mul3A_38] : memref<10240xf32, #tpu.memory_space<vmem_shared>> -> memref<640xf32, #tpu.memory_space<vmem_shared>>
      tpu.enqueue_dma source(%arg8 : memref<640xf32, #tpu.memory_space<vmem>>) target(%dma_start3A_64 : memref<640xf32, #tpu.memory_space<vmem_shared>>) target_semaphore(%run_scoped3A_63 : memref<!tpu.dma_semaphore, #tpu.memory_space<semaphore_mem>>)
      %dma_wait3A = tpu.memref_slice %arg9[%mul3A_38] : memref<10240xf32, #tpu.memory_space<vmem_shared>> -> memref<640xf32, #tpu.memory_space<vmem_shared>>
      %dma_wait3A_65 = tpu.memref_slice %arg9[%mul3A_38] : memref<10240xf32, #tpu.memory_space<vmem_shared>> -> memref<640xf32, #tpu.memory_space<vmem_shared>>
      tpu.wait_dma2 semaphore(%run_scoped3A_63 : memref<!tpu.dma_semaphore, #tpu.memory_space<semaphore_mem>>) src(%arg8 : memref<640xf32, #tpu.memory_space<vmem>>) dst(%dma_wait3A_65 : memref<640xf32, #tpu.memory_space<vmem_shared>>)
      tpu.yield
    }) : () -> ()
    %broadcast_in_dim3A_39 = arith.constant 10000 : i32
    %broadcast_in_dim3A_40 = vector.broadcast %broadcast_in_dim3A_39 : i32 to vector<16xi32>
    %broadcast_in_dim3A_41 = arith.constant 127 : i32
    %broadcast_in_dim3A_42 = vector.broadcast %broadcast_in_dim3A_41 : i32 to vector<16xi32>
    %scan3A_43 = arith.constant 0 : i32
    %scan3A_44 = arith.constant 0 : i32
    %scan3A_45 = arith.constant 90 : i32
    %scan3A_46 = arith.addi %scan3A_44, %scan3A_45 : i32
    %scan3A_47 = arith.constant 1 : i32
    scf.for %scan3A_63 = %scan3A_44 to %scan3A_46 step %scan3A_47  : i32 {
      %get3A = arith.index_cast %scan3A_63 : i32 to index
      %get3A_64 = arith.constant 0 : index
      %get3A_65 = tpu.vector_load %arg5[%get3A, %get3A_64] {strides = array<i32>} : memref<90x112xi32, #tpu.memory_space<vmem>>, vector<1x16xi32>,
      %get3A_66 = vector.shape_cast %get3A_65 : vector<1x16xi32> to vector<16xi32>
      %get3A_67 = arith.index_cast %scan3A_63 : i32 to index
      %get3A_68 = arith.constant 0 : index
      %get3A_69 = tpu.vector_load %arg6[%get3A_67, %get3A_68] {strides = array<i32>} : memref<90x112xi32, #tpu.memory_space<vmem>>, vector<1x16xi32>,
      %get3A_70 = vector.shape_cast %get3A_69 : vector<1x16xi32> to vector<16xi32>
      %eq3A = arith.cmpi eq, %get3A_66, %get3A_70 : vector<16xi32>
      %and3A = arith.andi %get3A_66, %broadcast_in_dim3A_42 : vector<16xi32>
      %add3A_71 = arith.addi %broadcast_in_dim3A_40, %and3A : vector<16xi32>
      %select_n3A = arith.select %eq3A, %add3A_71, %get3A_66 : vector<16xi1>, vector<16xi32>
      %swap3A_72 = arith.index_cast %scan3A_63 : i32 to index
      %swap3A_73 = arith.constant 0 : index
      %swap3A_74 = tpu.vector_load %arg6[%swap3A_72, %swap3A_73] {strides = array<i32>} : memref<90x112xi32, #tpu.memory_space<vmem>>, vector<1x16xi32>,
      %swap3A_75 = vector.shape_cast %swap3A_74 : vector<1x16xi32> to vector<16xi32>
      %swap3A_76 = vector.shape_cast %select_n3A : vector<16xi32> to vector<1x16xi32>
      tpu.vector_store %arg6[%swap3A_72, %swap3A_73], %swap3A_76 {strides = array<i32>} : memref<90x112xi32, #tpu.memory_space<vmem>>, vector<1x16xi32>,
      %get3A_77 = arith.index_cast %scan3A_63 : i32 to index
      %get3A_78 = arith.constant 16 : index
      %get3A_79 = tpu.vector_load %arg5[%get3A_77, %get3A_78] {strides = array<i32>} : memref<90x112xi32, #tpu.memory_space<vmem>>, vector<1x16xi32>,
      %get3A_80 = vector.shape_cast %get3A_79 : vector<1x16xi32> to vector<16xi32>
      %get3A_81 = arith.index_cast %scan3A_63 : i32 to index
      %get3A_82 = arith.constant 16 : index
      %get3A_83 = tpu.vector_load %arg6[%get3A_81, %get3A_82] {strides = array<i32>} : memref<90x112xi32, #tpu.memory_space<vmem>>, vector<1x16xi32>,
      %get3A_84 = vector.shape_cast %get3A_83 : vector<1x16xi32> to vector<16xi32>
      %eq3A_85 = arith.cmpi eq, %get3A_80, %get3A_84 : vector<16xi32>
      %and3A_86 = arith.andi %get3A_80, %broadcast_in_dim3A_42 : vector<16xi32>
      %add3A_87 = arith.addi %broadcast_in_dim3A_40, %and3A_86 : vector<16xi32>
      %select_n3A_88 = arith.select %eq3A_85, %add3A_87, %get3A_80 : vector<16xi1>, vector<16xi32>
      %swap3A_89 = arith.index_cast %scan3A_63 : i32 to index
      %swap3A_90 = arith.constant 16 : index
      %swap3A_91 = tpu.vector_load %arg6[%swap3A_89, %swap3A_90] {strides = array<i32>} : memref<90x112xi32, #tpu.memory_space<vmem>>, vector<1x16xi32>,
      %swap3A_92 = vector.shape_cast %swap3A_91 : vector<1x16xi32> to vector<16xi32>
      %swap3A_93 = vector.shape_cast %select_n3A_88 : vector<16xi32> to vector<1x16xi32>
      tpu.vector_store %arg6[%swap3A_89, %swap3A_90], %swap3A_93 {strides = array<i32>} : memref<90x112xi32, #tpu.memory_space<vmem>>, vector<1x16xi32>,
      %get3A_94 = arith.index_cast %scan3A_63 : i32 to index
      %get3A_95 = arith.constant 32 : index
      %get3A_96 = tpu.vector_load %arg5[%get3A_94, %get3A_95] {strides = array<i32>} : memref<90x112xi32, #tpu.memory_space<vmem>>, vector<1x16xi32>,
      %get3A_97 = vector.shape_cast %get3A_96 : vector<1x16xi32> to vector<16xi32>
      %get3A_98 = arith.index_cast %scan3A_63 : i32 to index
      %get3A_99 = arith.constant 32 : index
      %get3A_100 = tpu.vector_load %arg6[%get3A_98, %get3A_99] {strides = array<i32>} : memref<90x112xi32, #tpu.memory_space<vmem>>, vector<1x16xi32>,
      %get3A_101 = vector.shape_cast %get3A_100 : vector<1x16xi32> to vector<16xi32>
      %eq3A_102 = arith.cmpi eq, %get3A_97, %get3A_101 : vector<16xi32>
      %and3A_103 = arith.andi %get3A_97, %broadcast_in_dim3A_42 : vector<16xi32>
      %add3A_104 = arith.addi %broadcast_in_dim3A_40, %and3A_103 : vector<16xi32>
      %select_n3A_105 = arith.select %eq3A_102, %add3A_104, %get3A_97 : vector<16xi1>, vector<16xi32>
      %swap3A_106 = arith.index_cast %scan3A_63 : i32 to index
      %swap3A_107 = arith.constant 32 : index
      %swap3A_108 = tpu.vector_load %arg6[%swap3A_106, %swap3A_107] {strides = array<i32>} : memref<90x112xi32, #tpu.memory_space<vmem>>, vector<1x16xi32>,
      %swap3A_109 = vector.shape_cast %swap3A_108 : vector<1x16xi32> to vector<16xi32>
      %swap3A_110 = vector.shape_cast %select_n3A_105 : vector<16xi32> to vector<1x16xi32>
      tpu.vector_store %arg6[%swap3A_106, %swap3A_107], %swap3A_110 {strides = array<i32>} : memref<90x112xi32, #tpu.memory_space<vmem>>, vector<1x16xi32>,
      %get3A_111 = arith.index_cast %scan3A_63 : i32 to index
      %get3A_112 = arith.constant 48 : index
      %get3A_113 = tpu.vector_load %arg5[%get3A_111, %get3A_112] {strides = array<i32>} : memref<90x112xi32, #tpu.memory_space<vmem>>, vector<1x16xi32>,
      %get3A_114 = vector.shape_cast %get3A_113 : vector<1x16xi32> to vector<16xi32>
      %get3A_115 = arith.index_cast %scan3A_63 : i32 to index
      %get3A_116 = arith.constant 48 : index
      %get3A_117 = tpu.vector_load %arg6[%get3A_115, %get3A_116] {strides = array<i32>} : memref<90x112xi32, #tpu.memory_space<vmem>>, vector<1x16xi32>,
      %get3A_118 = vector.shape_cast %get3A_117 : vector<1x16xi32> to vector<16xi32>
      %eq3A_119 = arith.cmpi eq, %get3A_114, %get3A_118 : vector<16xi32>
      %and3A_120 = arith.andi %get3A_114, %broadcast_in_dim3A_42 : vector<16xi32>
      %add3A_121 = arith.addi %broadcast_in_dim3A_40, %and3A_120 : vector<16xi32>
      %select_n3A_122 = arith.select %eq3A_119, %add3A_121, %get3A_114 : vector<16xi1>, vector<16xi32>
      %swap3A_123 = arith.index_cast %scan3A_63 : i32 to index
      %swap3A_124 = arith.constant 48 : index
      %swap3A_125 = tpu.vector_load %arg6[%swap3A_123, %swap3A_124] {strides = array<i32>} : memref<90x112xi32, #tpu.memory_space<vmem>>, vector<1x16xi32>,
      %swap3A_126 = vector.shape_cast %swap3A_125 : vector<1x16xi32> to vector<16xi32>
      %swap3A_127 = vector.shape_cast %select_n3A_122 : vector<16xi32> to vector<1x16xi32>
      tpu.vector_store %arg6[%swap3A_123, %swap3A_124], %swap3A_127 {strides = array<i32>} : memref<90x112xi32, #tpu.memory_space<vmem>>, vector<1x16xi32>,
      %get3A_128 = arith.index_cast %scan3A_63 : i32 to index
      %get3A_129 = arith.constant 64 : index
      %get3A_130 = tpu.vector_load %arg5[%get3A_128, %get3A_129] {strides = array<i32>} : memref<90x112xi32, #tpu.memory_space<vmem>>, vector<1x16xi32>,
      %get3A_131 = vector.shape_cast %get3A_130 : vector<1x16xi32> to vector<16xi32>
      %get3A_132 = arith.index_cast %scan3A_63 : i32 to index
      %get3A_133 = arith.constant 64 : index
      %get3A_134 = tpu.vector_load %arg6[%get3A_132, %get3A_133] {strides = array<i32>} : memref<90x112xi32, #tpu.memory_space<vmem>>, vector<1x16xi32>,
      %get3A_135 = vector.shape_cast %get3A_134 : vector<1x16xi32> to vector<16xi32>
      %eq3A_136 = arith.cmpi eq, %get3A_131, %get3A_135 : vector<16xi32>
      %and3A_137 = arith.andi %get3A_131, %broadcast_in_dim3A_42 : vector<16xi32>
      %add3A_138 = arith.addi %broadcast_in_dim3A_40, %and3A_137 : vector<16xi32>
      %select_n3A_139 = arith.select %eq3A_136, %add3A_138, %get3A_131 : vector<16xi1>, vector<16xi32>
      %swap3A_140 = arith.index_cast %scan3A_63 : i32 to index
      %swap3A_141 = arith.constant 64 : index
      %swap3A_142 = tpu.vector_load %arg6[%swap3A_140, %swap3A_141] {strides = array<i32>} : memref<90x112xi32, #tpu.memory_space<vmem>>, vector<1x16xi32>,
      %swap3A_143 = vector.shape_cast %swap3A_142 : vector<1x16xi32> to vector<16xi32>
      %swap3A_144 = vector.shape_cast %select_n3A_139 : vector<16xi32> to vector<1x16xi32>
      tpu.vector_store %arg6[%swap3A_140, %swap3A_141], %swap3A_144 {strides = array<i32>} : memref<90x112xi32, #tpu.memory_space<vmem>>, vector<1x16xi32>,
      %get3A_145 = arith.index_cast %scan3A_63 : i32 to index
      %get3A_146 = arith.constant 80 : index
      %get3A_147 = tpu.vector_load %arg5[%get3A_145, %get3A_146] {strides = array<i32>} : memref<90x112xi32, #tpu.memory_space<vmem>>, vector<1x16xi32>,
      %get3A_148 = vector.shape_cast %get3A_147 : vector<1x16xi32> to vector<16xi32>
      %get3A_149 = arith.index_cast %scan3A_63 : i32 to index
      %get3A_150 = arith.constant 80 : index
      %get3A_151 = tpu.vector_load %arg6[%get3A_149, %get3A_150] {strides = array<i32>} : memref<90x112xi32, #tpu.memory_space<vmem>>, vector<1x16xi32>,
      %get3A_152 = vector.shape_cast %get3A_151 : vector<1x16xi32> to vector<16xi32>
      %eq3A_153 = arith.cmpi eq, %get3A_148, %get3A_152 : vector<16xi32>
      %and3A_154 = arith.andi %get3A_148, %broadcast_in_dim3A_42 : vector<16xi32>
      %add3A_155 = arith.addi %broadcast_in_dim3A_40, %and3A_154 : vector<16xi32>
      %select_n3A_156 = arith.select %eq3A_153, %add3A_155, %get3A_148 : vector<16xi1>, vector<16xi32>
      %swap3A_157 = arith.index_cast %scan3A_63 : i32 to index
      %swap3A_158 = arith.constant 80 : index
      %swap3A_159 = tpu.vector_load %arg6[%swap3A_157, %swap3A_158] {strides = array<i32>} : memref<90x112xi32, #tpu.memory_space<vmem>>, vector<1x16xi32>,
      %swap3A_160 = vector.shape_cast %swap3A_159 : vector<1x16xi32> to vector<16xi32>
      %swap3A_161 = vector.shape_cast %select_n3A_156 : vector<16xi32> to vector<1x16xi32>
      tpu.vector_store %arg6[%swap3A_157, %swap3A_158], %swap3A_161 {strides = array<i32>} : memref<90x112xi32, #tpu.memory_space<vmem>>, vector<1x16xi32>,
      %get3A_162 = arith.index_cast %scan3A_63 : i32 to index
      %get3A_163 = arith.constant 96 : index
      %get3A_164 = tpu.vector_load %arg5[%get3A_162, %get3A_163] {strides = array<i32>} : memref<90x112xi32, #tpu.memory_space<vmem>>, vector<1x16xi32>,
      %get3A_165 = vector.shape_cast %get3A_164 : vector<1x16xi32> to vector<16xi32>
      %get3A_166 = arith.index_cast %scan3A_63 : i32 to index
      %get3A_167 = arith.constant 96 : index
      %get3A_168 = tpu.vector_load %arg6[%get3A_166, %get3A_167] {strides = array<i32>} : memref<90x112xi32, #tpu.memory_space<vmem>>, vector<1x16xi32>,
      %get3A_169 = vector.shape_cast %get3A_168 : vector<1x16xi32> to vector<16xi32>
      %eq3A_170 = arith.cmpi eq, %get3A_165, %get3A_169 : vector<16xi32>
      %and3A_171 = arith.andi %get3A_165, %broadcast_in_dim3A_42 : vector<16xi32>
      %add3A_172 = arith.addi %broadcast_in_dim3A_40, %and3A_171 : vector<16xi32>
      %select_n3A_173 = arith.select %eq3A_170, %add3A_172, %get3A_165 : vector<16xi1>, vector<16xi32>
      %swap3A_174 = arith.index_cast %scan3A_63 : i32 to index
      %swap3A_175 = arith.constant 96 : index
      %swap3A_176 = tpu.vector_load %arg6[%swap3A_174, %swap3A_175] {strides = array<i32>} : memref<90x112xi32, #tpu.memory_space<vmem>>, vector<1x16xi32>,
      %swap3A_177 = vector.shape_cast %swap3A_176 : vector<1x16xi32> to vector<16xi32>
      %swap3A_178 = vector.shape_cast %select_n3A_173 : vector<16xi32> to vector<1x16xi32>
      tpu.vector_store %arg6[%swap3A_174, %swap3A_175], %swap3A_178 {strides = array<i32>} : memref<90x112xi32, #tpu.memory_space<vmem>>, vector<1x16xi32>,
    }
    %scan3A_48 = arith.constant 90 : i32
    "tpu.region"() ({
      %run_scoped3A_63 = tpu.sem_alloc : memref<!tpu.dma_semaphore, #tpu.memory_space<semaphore_mem>>
      %dma_start3A = arith.constant 0 : i32
      %dma_start3A_64 = arith.constant 0 : i32
      %dma_start3A_65 = tpu.memref_slice %arg4[%add3A, %dma_start3A, %dma_start3A_64] : memref<32x90x112xi32, #tpu.memory_space<hbm>> -> memref<1x90x112xi32, #tpu.memory_space<hbm>>
      %dma_start3A_66 = tpu.memref_squeeze %dma_start3A_65 : memref<1x90x112xi32, #tpu.memory_space<hbm>> -> memref<90x112xi32, #tpu.memory_space<hbm>>
      %dma_start3A_67 = arith.constant 0 : i32
      %dma_start3A_68 = arith.constant 0 : i32
      %dma_start3A_69 = tpu.memref_slice %arg4[%add3A, %dma_start3A_67, %dma_start3A_68] : memref<32x90x112xi32, #tpu.memory_space<hbm>> -> memref<1x90x112xi32, #tpu.memory_space<hbm>>
      %dma_start3A_70 = tpu.memref_squeeze %dma_start3A_69 : memref<1x90x112xi32, #tpu.memory_space<hbm>> -> memref<90x112xi32, #tpu.memory_space<hbm>>
      tpu.enqueue_dma source(%arg6 : memref<90x112xi32, #tpu.memory_space<vmem>>) target(%dma_start3A_70 : memref<90x112xi32, #tpu.memory_space<hbm>>) target_semaphore(%run_scoped3A_63 : memref<!tpu.dma_semaphore, #tpu.memory_space<semaphore_mem>>)
      %dma_wait3A = arith.constant 0 : i32
      %dma_wait3A_71 = arith.constant 0 : i32
      %dma_wait3A_72 = tpu.memref_slice %arg4[%add3A, %dma_wait3A, %dma_wait3A_71] : memref<32x90x112xi32, #tpu.memory_space<hbm>> -> memref<1x90x112xi32, #tpu.memory_space<hbm>>
      %dma_wait3A_73 = tpu.memref_squeeze %dma_wait3A_72 : memref<1x90x112xi32, #tpu.memory_space<hbm>> -> memref<90x112xi32, #tpu.memory_space<hbm>>
      %dma_wait3A_74 = arith.constant 0 : i32
      %dma_wait3A_75 = arith.constant 0 : i32
      %dma_wait3A_76 = tpu.memref_slice %arg4[%add3A, %dma_wait3A_74, %dma_wait3A_75] : memref<32x90x112xi32, #tpu.memory_space<hbm>> -> memref<1x90x112xi32, #tpu.memory_space<hbm>>
      %dma_wait3A_77 = tpu.memref_squeeze %dma_wait3A_76 : memref<1x90x112xi32, #tpu.memory_space<hbm>> -> memref<90x112xi32, #tpu.memory_space<hbm>>
      tpu.wait_dma2 semaphore(%run_scoped3A_63 : memref<!tpu.dma_semaphore, #tpu.memory_space<semaphore_mem>>) src(%arg6 : memref<90x112xi32, #tpu.memory_space<vmem>>) dst(%dma_wait3A_77 : memref<90x112xi32, #tpu.memory_space<hbm>>)
      tpu.yield
    }) : () -> ()
    %barrier3A = arith.constant 0 : index
    tpu.barrier barrier_id(%barrier3A)
    %scan3A_49 = arith.constant 0 : i32
    %scan3A_50 = arith.constant 0 : i32
    %scan3A_51 = arith.constant 90 : i32
    %scan3A_52 = arith.addi %scan3A_50, %scan3A_51 : i32
    %scan3A_53 = arith.constant 1 : i32
    scf.for %scan3A_63 = %scan3A_50 to %scan3A_52 step %scan3A_53  : i32 {
      "tpu.region"() ({
        %run_scoped3A_64 = tpu.sem_alloc : memref<!tpu.dma_semaphore, #tpu.memory_space<semaphore_mem>>
        %dma_start3A = arith.constant 0 : i32
        %dma_start3A_65 = tpu.memref_slice %arg6[%scan3A_63, %dma_start3A] : memref<90x112xi32, #tpu.memory_space<vmem>> -> memref<1x112xi32, #tpu.memory_space<vmem>>
        %dma_start3A_66 = tpu.memref_squeeze %dma_start3A_65 : memref<1x112xi32, #tpu.memory_space<vmem>> -> memref<112xi32, #tpu.memory_space<vmem>>
        %dma_start3A_67 = arith.constant 0 : i32
        %dma_start3A_68 = tpu.memref_slice %arg9[%dma_start3A_67] : memref<10240xf32, #tpu.memory_space<vmem_shared>> -> memref<10240xf32, #tpu.memory_space<vmem_shared>>
        tpu.enqueue_indirect_dma source(%arg7 : memref<112xf32, #tpu.memory_space<vmem>>) target(%dma_start3A_68 : memref<10240xf32, #tpu.memory_space<vmem_shared>>) offsets(%dma_start3A_66 : memref<112xi32, #tpu.memory_space<vmem>>) semaphore(%run_scoped3A_64 : memref<!tpu.dma_semaphore, #tpu.memory_space<semaphore_mem>>) {add = true}
        %dma_wait3A = arith.constant 0 : i32
        %dma_wait3A_69 = tpu.memref_slice %arg6[%scan3A_63, %dma_wait3A] : memref<90x112xi32, #tpu.memory_space<vmem>> -> memref<1x112xi32, #tpu.memory_space<vmem>>
        %dma_wait3A_70 = tpu.memref_squeeze %dma_wait3A_69 : memref<1x112xi32, #tpu.memory_space<vmem>> -> memref<112xi32, #tpu.memory_space<vmem>>
        %dma_wait3A_71 = arith.constant 0 : i32
        %dma_wait3A_72 = tpu.memref_slice %arg9[%dma_wait3A_71] : memref<10240xf32, #tpu.memory_space<vmem_shared>> -> memref<10240xf32, #tpu.memory_space<vmem_shared>>
        tpu.wait_indirect_dma semaphore(%run_scoped3A_64 : memref<!tpu.dma_semaphore, #tpu.memory_space<semaphore_mem>>) src(%arg7 : memref<112xf32, #tpu.memory_space<vmem>>) dst(%dma_wait3A_72 : memref<10240xf32, #tpu.memory_space<vmem_shared>>)
        tpu.yield
      }) : () -> ()
    }
    %scan3A_54 = arith.constant 90 : i32
    %barrier3A_55 = arith.constant 0 : index
    tpu.barrier barrier_id(%barrier3A_55)
    %mul3A_56 = arith.constant 640 : i32
    %mul3A_57 = arith.muli %arg1, %mul3A_56 : i32
    %mul3A_58 = arith.constant 10240 : i32
    %mul3A_59 = arith.muli %arg0, %mul3A_58 : i32
    %mul3A_60 = arith.constant 640 : i32
    %mul3A_61 = arith.muli %arg1, %mul3A_60 : i32
    %add3A_62 = arith.addi %mul3A_59, %mul3A_61 : i32
    "tpu.region"() ({
      %run_scoped3A_63 = tpu.sem_alloc : memref<!tpu.dma_semaphore, #tpu.memory_space<semaphore_mem>>
      %dma_start3A = tpu.memref_slice %arg3[%add3A_62] : memref<20480xf32, #tpu.memory_space<hbm>> -> memref<640xf32, #tpu.memory_space<hbm>>
      %dma_start3A_64 = tpu.memref_slice %arg9[%mul3A_57] : memref<10240xf32, #tpu.memory_space<vmem_shared>> -> memref<640xf32, #tpu.memory_space<vmem_shared>>
      tpu.enqueue_dma source(%dma_start3A_64 : memref<640xf32, #tpu.memory_space<vmem_shared>>) target(%dma_start3A : memref<640xf32, #tpu.memory_space<hbm>>) target_semaphore(%run_scoped3A_63 : memref<!tpu.dma_semaphore, #tpu.memory_space<semaphore_mem>>)
      %dma_wait3A = tpu.memref_slice %arg3[%add3A_62] : memref<20480xf32, #tpu.memory_space<hbm>> -> memref<640xf32, #tpu.memory_space<hbm>>
      %dma_wait3A_65 = tpu.memref_slice %arg9[%mul3A_57] : memref<10240xf32, #tpu.memory_space<vmem_shared>> -> memref<640xf32, #tpu.memory_space<vmem_shared>>
      tpu.wait_dma2 semaphore(%run_scoped3A_63 : memref<!tpu.dma_semaphore, #tpu.memory_space<semaphore_mem>>) src(%dma_wait3A_65 : memref<640xf32, #tpu.memory_space<vmem_shared>>) dst(%dma_wait3A : memref<640xf32, #tpu.memory_space<hbm>>)
      tpu.yield
    }) : () -> ()
    return
  }
}

#map = affine_map<(d0, d1) -> (0, 0)>
#map1 = affine_map<(d0, d1) -> (0, 0, 0, 0, 0)>
#map2 = affine_map<(d0, d1) -> (0, 0, 0, 0)>
module attributes {stable_mosaic.version = 14 : i64} {
  func.func @_sc_spmm(%arg0: i32, %arg1: i32, %arg2: memref<10000x128xf32, #tpu.memory_space<hbm>>, %arg3: memref<2x32x5x18x112xi32, #tpu.memory_space<hbm>>, %arg4: memref<32x5x18x112xi32, #tpu.memory_space<hbm>>, %arg5: memref<640x128xf32, #tpu.memory_space<hbm>>, %arg6: memref<20480x128xf32, #tpu.memory_space<hbm>>, %arg7: memref<18x112xi32, #tpu.memory_space<vmem>>, %arg8: memref<18x112xi32, #tpu.memory_space<vmem>>, %arg9: memref<112x128xf32, #tpu.memory_space<vmem>>, %arg10: memref<112x128xf32, #tpu.memory_space<vmem>>, %arg11: memref<112x128xf32, #tpu.memory_space<vmem>>, %arg12: memref<10240x128xf32, #tpu.memory_space<vmem_shared>>, %arg13: memref<!tpu.dma_semaphore, #tpu.memory_space<semaphore_mem>>, %arg14: memref<!tpu.dma_semaphore, #tpu.memory_space<semaphore_mem>>, %arg15: memref<!tpu.dma_semaphore, #tpu.memory_space<semaphore_mem>>, %arg16: memref<!tpu.dma_semaphore, #tpu.memory_space<semaphore_mem>>, %arg17: memref<!tpu.dma_semaphore, #tpu.memory_space<semaphore_mem>>, %arg18: memref<!tpu.dma_semaphore, #tpu.memory_space<semaphore_mem>>) attributes {dimension_semantics = [#tpu.dimension_semantics<core_parallel>, #tpu.dimension_semantics<subcore_parallel>], iteration_bounds = array<i64: 2, 16>, scalar_prefetch = 0 : i64, scratch_operands = 12 : i64, tpu.core_type = #tpu.core_type<sc_vector_subcore>, window_params = [{transform_indices = #map}, {transform_indices = #map1}, {transform_indices = #map2}, {transform_indices = #map}, {transform_indices = #map}]} {
    %mul3A = arith.constant 16 : i32
    %mul3A_0 = arith.muli %arg0, %mul3A : i32
    %add3A = arith.addi %mul3A_0, %arg1 : i32
    %mul3A_1 = arith.constant 640 : i32
    %mul3A_2 = arith.muli %arg1, %mul3A_1 : i32
    "tpu.region"() ({
      %run_scoped3A = tpu.sem_alloc : memref<!tpu.dma_semaphore, #tpu.memory_space<semaphore_mem>>
      %dma_start3A = arith.constant 0 : i32
      %dma_start3A_16 = tpu.memref_slice %arg12[%mul3A_2, %dma_start3A] : memref<10240x128xf32, #tpu.memory_space<vmem_shared>> -> memref<640x128xf32, #tpu.memory_space<vmem_shared>>
      tpu.enqueue_dma source(%arg5 : memref<640x128xf32, #tpu.memory_space<hbm>>) target(%dma_start3A_16 : memref<640x128xf32, #tpu.memory_space<vmem_shared>>) target_semaphore(%run_scoped3A : memref<!tpu.dma_semaphore, #tpu.memory_space<semaphore_mem>>)
      %dma_wait3A = arith.constant 0 : i32
      %dma_wait3A_17 = tpu.memref_slice %arg12[%mul3A_2, %dma_wait3A] : memref<10240x128xf32, #tpu.memory_space<vmem_shared>> -> memref<640x128xf32, #tpu.memory_space<vmem_shared>>
      tpu.wait_dma2 semaphore(%run_scoped3A : memref<!tpu.dma_semaphore, #tpu.memory_space<semaphore_mem>>) src(%arg5 : memref<640x128xf32, #tpu.memory_space<hbm>>) dst(%dma_wait3A_17 : memref<640x128xf32, #tpu.memory_space<vmem_shared>>)
      tpu.yield
    }) : () -> ()
    %barrier3A = arith.constant 0 : index
    tpu.barrier barrier_id(%barrier3A)
    %scan3A = arith.constant 0 : i32
    %scan3A_3 = arith.constant 0 : i32
    %scan3A_4 = arith.constant 5 : i32
    %scan3A_5 = arith.addi %scan3A_3, %scan3A_4 : i32
    %scan3A_6 = arith.constant 1 : i32
    scf.for %scan3A_16 = %scan3A_3 to %scan3A_5 step %scan3A_6  : i32 {
      %run_scoped3A = arith.constant 1 : i32
      "tpu.region"() ({
        %run_scoped3A_189 = tpu.sem_alloc : memref<!tpu.dma_semaphore, #tpu.memory_space<semaphore_mem>>
        %dma_start3A_190 = arith.constant 0 : i32
        %dma_start3A_191 = arith.constant 0 : i32
        %dma_start3A_192 = tpu.memref_slice %arg3[%run_scoped3A, %add3A, %scan3A_16, %dma_start3A_190, %dma_start3A_191] : memref<2x32x5x18x112xi32, #tpu.memory_space<hbm>> -> memref<1x1x1x18x112xi32, #tpu.memory_space<hbm>>
        %dma_start3A_193 = tpu.memref_squeeze %dma_start3A_192 : memref<1x1x1x18x112xi32, #tpu.memory_space<hbm>> -> memref<18x112xi32, #tpu.memory_space<hbm>>
        %dma_start3A_194 = arith.constant 0 : i32
        %dma_start3A_195 = arith.constant 0 : i32
        %dma_start3A_196 = tpu.memref_slice %arg3[%run_scoped3A, %add3A, %scan3A_16, %dma_start3A_194, %dma_start3A_195] : memref<2x32x5x18x112xi32, #tpu.memory_space<hbm>> -> memref<1x1x1x18x112xi32, #tpu.memory_space<hbm>>
        %dma_start3A_197 = tpu.memref_squeeze %dma_start3A_196 : memref<1x1x1x18x112xi32, #tpu.memory_space<hbm>> -> memref<18x112xi32, #tpu.memory_space<hbm>>
        tpu.enqueue_dma source(%dma_start3A_197 : memref<18x112xi32, #tpu.memory_space<hbm>>) target(%arg7 : memref<18x112xi32, #tpu.memory_space<vmem>>) target_semaphore(%run_scoped3A_189 : memref<!tpu.dma_semaphore, #tpu.memory_space<semaphore_mem>>)
        %dma_wait3A_198 = arith.constant 0 : i32
        %dma_wait3A_199 = arith.constant 0 : i32
        %dma_wait3A_200 = tpu.memref_slice %arg3[%run_scoped3A, %add3A, %scan3A_16, %dma_wait3A_198, %dma_wait3A_199] : memref<2x32x5x18x112xi32, #tpu.memory_space<hbm>> -> memref<1x1x1x18x112xi32, #tpu.memory_space<hbm>>
        %dma_wait3A_201 = tpu.memref_squeeze %dma_wait3A_200 : memref<1x1x1x18x112xi32, #tpu.memory_space<hbm>> -> memref<18x112xi32, #tpu.memory_space<hbm>>
        %dma_wait3A_202 = arith.constant 0 : i32
        %dma_wait3A_203 = arith.constant 0 : i32
        %dma_wait3A_204 = tpu.memref_slice %arg3[%run_scoped3A, %add3A, %scan3A_16, %dma_wait3A_202, %dma_wait3A_203] : memref<2x32x5x18x112xi32, #tpu.memory_space<hbm>> -> memref<1x1x1x18x112xi32, #tpu.memory_space<hbm>>
        %dma_wait3A_205 = tpu.memref_squeeze %dma_wait3A_204 : memref<1x1x1x18x112xi32, #tpu.memory_space<hbm>> -> memref<18x112xi32, #tpu.memory_space<hbm>>
        tpu.wait_dma2 semaphore(%run_scoped3A_189 : memref<!tpu.dma_semaphore, #tpu.memory_space<semaphore_mem>>) src(%dma_wait3A_205 : memref<18x112xi32, #tpu.memory_space<hbm>>) dst(%arg7 : memref<18x112xi32, #tpu.memory_space<vmem>>)
        tpu.yield
      }) : () -> ()
      "tpu.region"() ({
        %run_scoped3A_189 = tpu.sem_alloc : memref<!tpu.dma_semaphore, #tpu.memory_space<semaphore_mem>>
        %dma_start3A_190 = arith.constant 0 : i32
        %dma_start3A_191 = arith.constant 0 : i32
        %dma_start3A_192 = tpu.memref_slice %arg4[%add3A, %scan3A_16, %dma_start3A_190, %dma_start3A_191] : memref<32x5x18x112xi32, #tpu.memory_space<hbm>> -> memref<1x1x18x112xi32, #tpu.memory_space<hbm>>
        %dma_start3A_193 = tpu.memref_squeeze %dma_start3A_192 : memref<1x1x18x112xi32, #tpu.memory_space<hbm>> -> memref<18x112xi32, #tpu.memory_space<hbm>>
        %dma_start3A_194 = arith.constant 0 : i32
        %dma_start3A_195 = arith.constant 0 : i32
        %dma_start3A_196 = tpu.memref_slice %arg4[%add3A, %scan3A_16, %dma_start3A_194, %dma_start3A_195] : memref<32x5x18x112xi32, #tpu.memory_space<hbm>> -> memref<1x1x18x112xi32, #tpu.memory_space<hbm>>
        %dma_start3A_197 = tpu.memref_squeeze %dma_start3A_196 : memref<1x1x18x112xi32, #tpu.memory_space<hbm>> -> memref<18x112xi32, #tpu.memory_space<hbm>>
        tpu.enqueue_dma source(%dma_start3A_197 : memref<18x112xi32, #tpu.memory_space<hbm>>) target(%arg8 : memref<18x112xi32, #tpu.memory_space<vmem>>) target_semaphore(%run_scoped3A_189 : memref<!tpu.dma_semaphore, #tpu.memory_space<semaphore_mem>>)
        %dma_wait3A_198 = arith.constant 0 : i32
        %dma_wait3A_199 = arith.constant 0 : i32
        %dma_wait3A_200 = tpu.memref_slice %arg4[%add3A, %scan3A_16, %dma_wait3A_198, %dma_wait3A_199] : memref<32x5x18x112xi32, #tpu.memory_space<hbm>> -> memref<1x1x18x112xi32, #tpu.memory_space<hbm>>
        %dma_wait3A_201 = tpu.memref_squeeze %dma_wait3A_200 : memref<1x1x18x112xi32, #tpu.memory_space<hbm>> -> memref<18x112xi32, #tpu.memory_space<hbm>>
        %dma_wait3A_202 = arith.constant 0 : i32
        %dma_wait3A_203 = arith.constant 0 : i32
        %dma_wait3A_204 = tpu.memref_slice %arg4[%add3A, %scan3A_16, %dma_wait3A_202, %dma_wait3A_203] : memref<32x5x18x112xi32, #tpu.memory_space<hbm>> -> memref<1x1x18x112xi32, #tpu.memory_space<hbm>>
        %dma_wait3A_205 = tpu.memref_squeeze %dma_wait3A_204 : memref<1x1x18x112xi32, #tpu.memory_space<hbm>> -> memref<18x112xi32, #tpu.memory_space<hbm>>
        tpu.wait_dma2 semaphore(%run_scoped3A_189 : memref<!tpu.dma_semaphore, #tpu.memory_space<semaphore_mem>>) src(%dma_wait3A_205 : memref<18x112xi32, #tpu.memory_space<hbm>>) dst(%arg8 : memref<18x112xi32, #tpu.memory_space<vmem>>)
        tpu.yield
      }) : () -> ()
      %dma_start3A = arith.constant 0 : i32
      %dma_start3A_17 = arith.constant 0 : i32
      %dma_start3A_18 = tpu.memref_slice %arg7[%dma_start3A, %dma_start3A_17] : memref<18x112xi32, #tpu.memory_space<vmem>> -> memref<1x112xi32, #tpu.memory_space<vmem>>
      %dma_start3A_19 = tpu.memref_squeeze %dma_start3A_18 : memref<1x112xi32, #tpu.memory_space<vmem>> -> memref<112xi32, #tpu.memory_space<vmem>>
      %dma_start3A_20 = arith.constant 0 : i32
      %dma_start3A_21 = arith.constant 0 : i32
      %dma_start3A_22 = tpu.memref_slice %arg2[%dma_start3A_20, %dma_start3A_21] : memref<10000x128xf32, #tpu.memory_space<hbm>> -> memref<10000x128xf32, #tpu.memory_space<hbm>>
      tpu.enqueue_indirect_dma source(%dma_start3A_22 : memref<10000x128xf32, #tpu.memory_space<hbm>>) target(%arg9 : memref<112x128xf32, #tpu.memory_space<vmem>>) offsets(%dma_start3A_19 : memref<112xi32, #tpu.memory_space<vmem>>) semaphore(%arg13 : memref<!tpu.dma_semaphore, #tpu.memory_space<semaphore_mem>>)
      %dma_start3A_23 = arith.constant 1 : i32
      %dma_start3A_24 = arith.constant 0 : i32
      %dma_start3A_25 = tpu.memref_slice %arg7[%dma_start3A_23, %dma_start3A_24] : memref<18x112xi32, #tpu.memory_space<vmem>> -> memref<1x112xi32, #tpu.memory_space<vmem>>
      %dma_start3A_26 = tpu.memref_squeeze %dma_start3A_25 : memref<1x112xi32, #tpu.memory_space<vmem>> -> memref<112xi32, #tpu.memory_space<vmem>>
      %dma_start3A_27 = arith.constant 0 : i32
      %dma_start3A_28 = arith.constant 0 : i32
      %dma_start3A_29 = tpu.memref_slice %arg2[%dma_start3A_27, %dma_start3A_28] : memref<10000x128xf32, #tpu.memory_space<hbm>> -> memref<10000x128xf32, #tpu.memory_space<hbm>>
      tpu.enqueue_indirect_dma source(%dma_start3A_29 : memref<10000x128xf32, #tpu.memory_space<hbm>>) target(%arg10 : memref<112x128xf32, #tpu.memory_space<vmem>>) offsets(%dma_start3A_26 : memref<112xi32, #tpu.memory_space<vmem>>) semaphore(%arg14 : memref<!tpu.dma_semaphore, #tpu.memory_space<semaphore_mem>>)
      %dma_wait3A = arith.constant 0 : i32
      %dma_wait3A_30 = arith.constant 0 : i32
      %dma_wait3A_31 = tpu.memref_slice %arg7[%dma_wait3A, %dma_wait3A_30] : memref<18x112xi32, #tpu.memory_space<vmem>> -> memref<1x112xi32, #tpu.memory_space<vmem>>
      %dma_wait3A_32 = tpu.memref_squeeze %dma_wait3A_31 : memref<1x112xi32, #tpu.memory_space<vmem>> -> memref<112xi32, #tpu.memory_space<vmem>>
      %dma_wait3A_33 = arith.constant 0 : i32
      %dma_wait3A_34 = arith.constant 0 : i32
      %dma_wait3A_35 = tpu.memref_slice %arg2[%dma_wait3A_33, %dma_wait3A_34] : memref<10000x128xf32, #tpu.memory_space<hbm>> -> memref<10000x128xf32, #tpu.memory_space<hbm>>
      tpu.wait_indirect_dma semaphore(%arg13 : memref<!tpu.dma_semaphore, #tpu.memory_space<semaphore_mem>>) src(%dma_wait3A_35 : memref<10000x128xf32, #tpu.memory_space<hbm>>) dst(%arg9 : memref<112x128xf32, #tpu.memory_space<vmem>>)
      %dma_start3A_36 = arith.constant 0 : i32
      %dma_start3A_37 = arith.constant 0 : i32
      %dma_start3A_38 = tpu.memref_slice %arg8[%dma_start3A_36, %dma_start3A_37] : memref<18x112xi32, #tpu.memory_space<vmem>> -> memref<1x112xi32, #tpu.memory_space<vmem>>
      %dma_start3A_39 = tpu.memref_squeeze %dma_start3A_38 : memref<1x112xi32, #tpu.memory_space<vmem>> -> memref<112xi32, #tpu.memory_space<vmem>>
      %dma_start3A_40 = arith.constant 0 : i32
      %dma_start3A_41 = arith.constant 0 : i32
      %dma_start3A_42 = tpu.memref_slice %arg12[%dma_start3A_40, %dma_start3A_41] : memref<10240x128xf32, #tpu.memory_space<vmem_shared>> -> memref<10240x128xf32, #tpu.memory_space<vmem_shared>>
      tpu.enqueue_indirect_dma source(%arg9 : memref<112x128xf32, #tpu.memory_space<vmem>>) target(%dma_start3A_42 : memref<10240x128xf32, #tpu.memory_space<vmem_shared>>) offsets(%dma_start3A_39 : memref<112xi32, #tpu.memory_space<vmem>>) semaphore(%arg16 : memref<!tpu.dma_semaphore, #tpu.memory_space<semaphore_mem>>) {add = true}
      %dma_start3A_43 = arith.constant 2 : i32
      %dma_start3A_44 = arith.constant 0 : i32
      %dma_start3A_45 = tpu.memref_slice %arg7[%dma_start3A_43, %dma_start3A_44] : memref<18x112xi32, #tpu.memory_space<vmem>> -> memref<1x112xi32, #tpu.memory_space<vmem>>
      %dma_start3A_46 = tpu.memref_squeeze %dma_start3A_45 : memref<1x112xi32, #tpu.memory_space<vmem>> -> memref<112xi32, #tpu.memory_space<vmem>>
      %dma_start3A_47 = arith.constant 0 : i32
      %dma_start3A_48 = arith.constant 0 : i32
      %dma_start3A_49 = tpu.memref_slice %arg2[%dma_start3A_47, %dma_start3A_48] : memref<10000x128xf32, #tpu.memory_space<hbm>> -> memref<10000x128xf32, #tpu.memory_space<hbm>>
      tpu.enqueue_indirect_dma source(%dma_start3A_49 : memref<10000x128xf32, #tpu.memory_space<hbm>>) target(%arg11 : memref<112x128xf32, #tpu.memory_space<vmem>>) offsets(%dma_start3A_46 : memref<112xi32, #tpu.memory_space<vmem>>) semaphore(%arg15 : memref<!tpu.dma_semaphore, #tpu.memory_space<semaphore_mem>>)
      %dma_wait3A_50 = arith.constant 1 : i32
      %dma_wait3A_51 = arith.constant 0 : i32
      %dma_wait3A_52 = tpu.memref_slice %arg7[%dma_wait3A_50, %dma_wait3A_51] : memref<18x112xi32, #tpu.memory_space<vmem>> -> memref<1x112xi32, #tpu.memory_space<vmem>>
      %dma_wait3A_53 = tpu.memref_squeeze %dma_wait3A_52 : memref<1x112xi32, #tpu.memory_space<vmem>> -> memref<112xi32, #tpu.memory_space<vmem>>
      %dma_wait3A_54 = arith.constant 0 : i32
      %dma_wait3A_55 = arith.constant 0 : i32
      %dma_wait3A_56 = tpu.memref_slice %arg2[%dma_wait3A_54, %dma_wait3A_55] : memref<10000x128xf32, #tpu.memory_space<hbm>> -> memref<10000x128xf32, #tpu.memory_space<hbm>>
      tpu.wait_indirect_dma semaphore(%arg14 : memref<!tpu.dma_semaphore, #tpu.memory_space<semaphore_mem>>) src(%dma_wait3A_56 : memref<10000x128xf32, #tpu.memory_space<hbm>>) dst(%arg10 : memref<112x128xf32, #tpu.memory_space<vmem>>)
      %dma_start3A_57 = arith.constant 1 : i32
      %dma_start3A_58 = arith.constant 0 : i32
      %dma_start3A_59 = tpu.memref_slice %arg8[%dma_start3A_57, %dma_start3A_58] : memref<18x112xi32, #tpu.memory_space<vmem>> -> memref<1x112xi32, #tpu.memory_space<vmem>>
      %dma_start3A_60 = tpu.memref_squeeze %dma_start3A_59 : memref<1x112xi32, #tpu.memory_space<vmem>> -> memref<112xi32, #tpu.memory_space<vmem>>
      %dma_start3A_61 = arith.constant 0 : i32
      %dma_start3A_62 = arith.constant 0 : i32
      %dma_start3A_63 = tpu.memref_slice %arg12[%dma_start3A_61, %dma_start3A_62] : memref<10240x128xf32, #tpu.memory_space<vmem_shared>> -> memref<10240x128xf32, #tpu.memory_space<vmem_shared>>
      tpu.enqueue_indirect_dma source(%arg10 : memref<112x128xf32, #tpu.memory_space<vmem>>) target(%dma_start3A_63 : memref<10240x128xf32, #tpu.memory_space<vmem_shared>>) offsets(%dma_start3A_60 : memref<112xi32, #tpu.memory_space<vmem>>) semaphore(%arg17 : memref<!tpu.dma_semaphore, #tpu.memory_space<semaphore_mem>>) {add = true}
      %dma_wait3A_64 = arith.constant 0 : i32
      %dma_wait3A_65 = arith.constant 0 : i32
      %dma_wait3A_66 = tpu.memref_slice %arg8[%dma_wait3A_64, %dma_wait3A_65] : memref<18x112xi32, #tpu.memory_space<vmem>> -> memref<1x112xi32, #tpu.memory_space<vmem>>
      %dma_wait3A_67 = tpu.memref_squeeze %dma_wait3A_66 : memref<1x112xi32, #tpu.memory_space<vmem>> -> memref<112xi32, #tpu.memory_space<vmem>>
      %dma_wait3A_68 = arith.constant 0 : i32
      %dma_wait3A_69 = arith.constant 0 : i32
      %dma_wait3A_70 = tpu.memref_slice %arg12[%dma_wait3A_68, %dma_wait3A_69] : memref<10240x128xf32, #tpu.memory_space<vmem_shared>> -> memref<10240x128xf32, #tpu.memory_space<vmem_shared>>
      tpu.wait_indirect_dma semaphore(%arg16 : memref<!tpu.dma_semaphore, #tpu.memory_space<semaphore_mem>>) src(%arg9 : memref<112x128xf32, #tpu.memory_space<vmem>>) dst(%dma_wait3A_70 : memref<10240x128xf32, #tpu.memory_space<vmem_shared>>)
      %dma_start3A_71 = arith.constant 3 : i32
      %dma_start3A_72 = arith.constant 0 : i32
      %dma_start3A_73 = tpu.memref_slice %arg7[%dma_start3A_71, %dma_start3A_72] : memref<18x112xi32, #tpu.memory_space<vmem>> -> memref<1x112xi32, #tpu.memory_space<vmem>>
      %dma_start3A_74 = tpu.memref_squeeze %dma_start3A_73 : memref<1x112xi32, #tpu.memory_space<vmem>> -> memref<112xi32, #tpu.memory_space<vmem>>
      %dma_start3A_75 = arith.constant 0 : i32
      %dma_start3A_76 = arith.constant 0 : i32
      %dma_start3A_77 = tpu.memref_slice %arg2[%dma_start3A_75, %dma_start3A_76] : memref<10000x128xf32, #tpu.memory_space<hbm>> -> memref<10000x128xf32, #tpu.memory_space<hbm>>
      tpu.enqueue_indirect_dma source(%dma_start3A_77 : memref<10000x128xf32, #tpu.memory_space<hbm>>) target(%arg9 : memref<112x128xf32, #tpu.memory_space<vmem>>) offsets(%dma_start3A_74 : memref<112xi32, #tpu.memory_space<vmem>>) semaphore(%arg13 : memref<!tpu.dma_semaphore, #tpu.memory_space<semaphore_mem>>)
      %dma_wait3A_78 = arith.constant 2 : i32
      %dma_wait3A_79 = arith.constant 0 : i32
      %dma_wait3A_80 = tpu.memref_slice %arg7[%dma_wait3A_78, %dma_wait3A_79] : memref<18x112xi32, #tpu.memory_space<vmem>> -> memref<1x112xi32, #tpu.memory_space<vmem>>
      %dma_wait3A_81 = tpu.memref_squeeze %dma_wait3A_80 : memref<1x112xi32, #tpu.memory_space<vmem>> -> memref<112xi32, #tpu.memory_space<vmem>>
      %dma_wait3A_82 = arith.constant 0 : i32
      %dma_wait3A_83 = arith.constant 0 : i32
      %dma_wait3A_84 = tpu.memref_slice %arg2[%dma_wait3A_82, %dma_wait3A_83] : memref<10000x128xf32, #tpu.memory_space<hbm>> -> memref<10000x128xf32, #tpu.memory_space<hbm>>
      tpu.wait_indirect_dma semaphore(%arg15 : memref<!tpu.dma_semaphore, #tpu.memory_space<semaphore_mem>>) src(%dma_wait3A_84 : memref<10000x128xf32, #tpu.memory_space<hbm>>) dst(%arg11 : memref<112x128xf32, #tpu.memory_space<vmem>>)
      %dma_start3A_85 = arith.constant 2 : i32
      %dma_start3A_86 = arith.constant 0 : i32
      %dma_start3A_87 = tpu.memref_slice %arg8[%dma_start3A_85, %dma_start3A_86] : memref<18x112xi32, #tpu.memory_space<vmem>> -> memref<1x112xi32, #tpu.memory_space<vmem>>
      %dma_start3A_88 = tpu.memref_squeeze %dma_start3A_87 : memref<1x112xi32, #tpu.memory_space<vmem>> -> memref<112xi32, #tpu.memory_space<vmem>>
      %dma_start3A_89 = arith.constant 0 : i32
      %dma_start3A_90 = arith.constant 0 : i32
      %dma_start3A_91 = tpu.memref_slice %arg12[%dma_start3A_89, %dma_start3A_90] : memref<10240x128xf32, #tpu.memory_space<vmem_shared>> -> memref<10240x128xf32, #tpu.memory_space<vmem_shared>>
      tpu.enqueue_indirect_dma source(%arg11 : memref<112x128xf32, #tpu.memory_space<vmem>>) target(%dma_start3A_91 : memref<10240x128xf32, #tpu.memory_space<vmem_shared>>) offsets(%dma_start3A_88 : memref<112xi32, #tpu.memory_space<vmem>>) semaphore(%arg18 : memref<!tpu.dma_semaphore, #tpu.memory_space<semaphore_mem>>) {add = true}
      %dma_wait3A_92 = arith.constant 1 : i32
      %dma_wait3A_93 = arith.constant 0 : i32
      %dma_wait3A_94 = tpu.memref_slice %arg8[%dma_wait3A_92, %dma_wait3A_93] : memref<18x112xi32, #tpu.memory_space<vmem>> -> memref<1x112xi32, #tpu.memory_space<vmem>>
      %dma_wait3A_95 = tpu.memref_squeeze %dma_wait3A_94 : memref<1x112xi32, #tpu.memory_space<vmem>> -> memref<112xi32, #tpu.memory_space<vmem>>
      %dma_wait3A_96 = arith.constant 0 : i32
      %dma_wait3A_97 = arith.constant 0 : i32
      %dma_wait3A_98 = tpu.memref_slice %arg12[%dma_wait3A_96, %dma_wait3A_97] : memref<10240x128xf32, #tpu.memory_space<vmem_shared>> -> memref<10240x128xf32, #tpu.memory_space<vmem_shared>>
      tpu.wait_indirect_dma semaphore(%arg17 : memref<!tpu.dma_semaphore, #tpu.memory_space<semaphore_mem>>) src(%arg10 : memref<112x128xf32, #tpu.memory_space<vmem>>) dst(%dma_wait3A_98 : memref<10240x128xf32, #tpu.memory_space<vmem_shared>>)
      %dma_start3A_99 = arith.constant 4 : i32
      %dma_start3A_100 = arith.constant 0 : i32
      %dma_start3A_101 = tpu.memref_slice %arg7[%dma_start3A_99, %dma_start3A_100] : memref<18x112xi32, #tpu.memory_space<vmem>> -> memref<1x112xi32, #tpu.memory_space<vmem>>
      %dma_start3A_102 = tpu.memref_squeeze %dma_start3A_101 : memref<1x112xi32, #tpu.memory_space<vmem>> -> memref<112xi32, #tpu.memory_space<vmem>>
      %dma_start3A_103 = arith.constant 0 : i32
      %dma_start3A_104 = arith.constant 0 : i32
      %dma_start3A_105 = tpu.memref_slice %arg2[%dma_start3A_103, %dma_start3A_104] : memref<10000x128xf32, #tpu.memory_space<hbm>> -> memref<10000x128xf32, #tpu.memory_space<hbm>>
      tpu.enqueue_indirect_dma source(%dma_start3A_105 : memref<10000x128xf32, #tpu.memory_space<hbm>>) target(%arg10 : memref<112x128xf32, #tpu.memory_space<vmem>>) offsets(%dma_start3A_102 : memref<112xi32, #tpu.memory_space<vmem>>) semaphore(%arg14 : memref<!tpu.dma_semaphore, #tpu.memory_space<semaphore_mem>>)
      %scan3A_106 = arith.constant 0 : i32
      %scan3A_107 = arith.constant 1 : i32
      %scan3A_108 = arith.constant 4 : i32
      %scan3A_109 = arith.addi %scan3A_107, %scan3A_108 : i32
      %scan3A_110 = arith.constant 1 : i32
      scf.for %scan3A_189 = %scan3A_107 to %scan3A_109 step %scan3A_110  : i32 {
        %mul3A_190 = arith.constant 3 : i32
        %mul3A_191 = arith.muli %mul3A_190, %scan3A_189 : i32
        %dma_wait3A_192 = arith.constant 0 : i32
        %dma_wait3A_193 = tpu.memref_slice %arg7[%mul3A_191, %dma_wait3A_192] : memref<18x112xi32, #tpu.memory_space<vmem>> -> memref<1x112xi32, #tpu.memory_space<vmem>>
        %dma_wait3A_194 = tpu.memref_squeeze %dma_wait3A_193 : memref<1x112xi32, #tpu.memory_space<vmem>> -> memref<112xi32, #tpu.memory_space<vmem>>
        %dma_wait3A_195 = arith.constant 0 : i32
        %dma_wait3A_196 = arith.constant 0 : i32
        %dma_wait3A_197 = tpu.memref_slice %arg2[%dma_wait3A_195, %dma_wait3A_196] : memref<10000x128xf32, #tpu.memory_space<hbm>> -> memref<10000x128xf32, #tpu.memory_space<hbm>>
        tpu.wait_indirect_dma semaphore(%arg13 : memref<!tpu.dma_semaphore, #tpu.memory_space<semaphore_mem>>) src(%dma_wait3A_197 : memref<10000x128xf32, #tpu.memory_space<hbm>>) dst(%arg9 : memref<112x128xf32, #tpu.memory_space<vmem>>)
        %dma_start3A_198 = arith.constant 0 : i32
        %dma_start3A_199 = tpu.memref_slice %arg8[%mul3A_191, %dma_start3A_198] : memref<18x112xi32, #tpu.memory_space<vmem>> -> memref<1x112xi32, #tpu.memory_space<vmem>>
        %dma_start3A_200 = tpu.memref_squeeze %dma_start3A_199 : memref<1x112xi32, #tpu.memory_space<vmem>> -> memref<112xi32, #tpu.memory_space<vmem>>
        %dma_start3A_201 = arith.constant 0 : i32
        %dma_start3A_202 = arith.constant 0 : i32
        %dma_start3A_203 = tpu.memref_slice %arg12[%dma_start3A_201, %dma_start3A_202] : memref<10240x128xf32, #tpu.memory_space<vmem_shared>> -> memref<10240x128xf32, #tpu.memory_space<vmem_shared>>
        tpu.enqueue_indirect_dma source(%arg9 : memref<112x128xf32, #tpu.memory_space<vmem>>) target(%dma_start3A_203 : memref<10240x128xf32, #tpu.memory_space<vmem_shared>>) offsets(%dma_start3A_200 : memref<112xi32, #tpu.memory_space<vmem>>) semaphore(%arg16 : memref<!tpu.dma_semaphore, #tpu.memory_space<semaphore_mem>>) {add = true}
        %sub3A = arith.constant 1 : i32
        %sub3A_204 = arith.subi %mul3A_191, %sub3A : i32
        %dma_wait3A_205 = arith.constant 0 : i32
        %dma_wait3A_206 = tpu.memref_slice %arg8[%sub3A_204, %dma_wait3A_205] : memref<18x112xi32, #tpu.memory_space<vmem>> -> memref<1x112xi32, #tpu.memory_space<vmem>>
        %dma_wait3A_207 = tpu.memref_squeeze %dma_wait3A_206 : memref<1x112xi32, #tpu.memory_space<vmem>> -> memref<112xi32, #tpu.memory_space<vmem>>
        %dma_wait3A_208 = arith.constant 0 : i32
        %dma_wait3A_209 = arith.constant 0 : i32
        %dma_wait3A_210 = tpu.memref_slice %arg12[%dma_wait3A_208, %dma_wait3A_209] : memref<10240x128xf32, #tpu.memory_space<vmem_shared>> -> memref<10240x128xf32, #tpu.memory_space<vmem_shared>>
        tpu.wait_indirect_dma semaphore(%arg18 : memref<!tpu.dma_semaphore, #tpu.memory_space<semaphore_mem>>) src(%arg11 : memref<112x128xf32, #tpu.memory_space<vmem>>) dst(%dma_wait3A_210 : memref<10240x128xf32, #tpu.memory_space<vmem_shared>>)
        %add3A_211 = arith.constant 2 : i32
        %add3A_212 = arith.addi %mul3A_191, %add3A_211 : i32
        %dma_start3A_213 = arith.constant 0 : i32
        %dma_start3A_214 = tpu.memref_slice %arg7[%add3A_212, %dma_start3A_213] : memref<18x112xi32, #tpu.memory_space<vmem>> -> memref<1x112xi32, #tpu.memory_space<vmem>>
        %dma_start3A_215 = tpu.memref_squeeze %dma_start3A_214 : memref<1x112xi32, #tpu.memory_space<vmem>> -> memref<112xi32, #tpu.memory_space<vmem>>
        %dma_start3A_216 = arith.constant 0 : i32
        %dma_start3A_217 = arith.constant 0 : i32
        %dma_start3A_218 = tpu.memref_slice %arg2[%dma_start3A_216, %dma_start3A_217] : memref<10000x128xf32, #tpu.memory_space<hbm>> -> memref<10000x128xf32, #tpu.memory_space<hbm>>
        tpu.enqueue_indirect_dma source(%dma_start3A_218 : memref<10000x128xf32, #tpu.memory_space<hbm>>) target(%arg11 : memref<112x128xf32, #tpu.memory_space<vmem>>) offsets(%dma_start3A_215 : memref<112xi32, #tpu.memory_space<vmem>>) semaphore(%arg15 : memref<!tpu.dma_semaphore, #tpu.memory_space<semaphore_mem>>)
        %add3A_219 = arith.constant 1 : i32
        %add3A_220 = arith.addi %mul3A_191, %add3A_219 : i32
        %dma_wait3A_221 = arith.constant 0 : i32
        %dma_wait3A_222 = tpu.memref_slice %arg7[%add3A_220, %dma_wait3A_221] : memref<18x112xi32, #tpu.memory_space<vmem>> -> memref<1x112xi32, #tpu.memory_space<vmem>>
        %dma_wait3A_223 = tpu.memref_squeeze %dma_wait3A_222 : memref<1x112xi32, #tpu.memory_space<vmem>> -> memref<112xi32, #tpu.memory_space<vmem>>
        %dma_wait3A_224 = arith.constant 0 : i32
        %dma_wait3A_225 = arith.constant 0 : i32
        %dma_wait3A_226 = tpu.memref_slice %arg2[%dma_wait3A_224, %dma_wait3A_225] : memref<10000x128xf32, #tpu.memory_space<hbm>> -> memref<10000x128xf32, #tpu.memory_space<hbm>>
        tpu.wait_indirect_dma semaphore(%arg14 : memref<!tpu.dma_semaphore, #tpu.memory_space<semaphore_mem>>) src(%dma_wait3A_226 : memref<10000x128xf32, #tpu.memory_space<hbm>>) dst(%arg10 : memref<112x128xf32, #tpu.memory_space<vmem>>)
        %add3A_227 = arith.constant 1 : i32
        %add3A_228 = arith.addi %mul3A_191, %add3A_227 : i32
        %dma_start3A_229 = arith.constant 0 : i32
        %dma_start3A_230 = tpu.memref_slice %arg8[%add3A_228, %dma_start3A_229] : memref<18x112xi32, #tpu.memory_space<vmem>> -> memref<1x112xi32, #tpu.memory_space<vmem>>
        %dma_start3A_231 = tpu.memref_squeeze %dma_start3A_230 : memref<1x112xi32, #tpu.memory_space<vmem>> -> memref<112xi32, #tpu.memory_space<vmem>>
        %dma_start3A_232 = arith.constant 0 : i32
        %dma_start3A_233 = arith.constant 0 : i32
        %dma_start3A_234 = tpu.memref_slice %arg12[%dma_start3A_232, %dma_start3A_233] : memref<10240x128xf32, #tpu.memory_space<vmem_shared>> -> memref<10240x128xf32, #tpu.memory_space<vmem_shared>>
        tpu.enqueue_indirect_dma source(%arg10 : memref<112x128xf32, #tpu.memory_space<vmem>>) target(%dma_start3A_234 : memref<10240x128xf32, #tpu.memory_space<vmem_shared>>) offsets(%dma_start3A_231 : memref<112xi32, #tpu.memory_space<vmem>>) semaphore(%arg17 : memref<!tpu.dma_semaphore, #tpu.memory_space<semaphore_mem>>) {add = true}
        %dma_wait3A_235 = arith.constant 0 : i32
        %dma_wait3A_236 = tpu.memref_slice %arg8[%mul3A_191, %dma_wait3A_235] : memref<18x112xi32, #tpu.memory_space<vmem>> -> memref<1x112xi32, #tpu.memory_space<vmem>>
        %dma_wait3A_237 = tpu.memref_squeeze %dma_wait3A_236 : memref<1x112xi32, #tpu.memory_space<vmem>> -> memref<112xi32, #tpu.memory_space<vmem>>
        %dma_wait3A_238 = arith.constant 0 : i32
        %dma_wait3A_239 = arith.constant 0 : i32
        %dma_wait3A_240 = tpu.memref_slice %arg12[%dma_wait3A_238, %dma_wait3A_239] : memref<10240x128xf32, #tpu.memory_space<vmem_shared>> -> memref<10240x128xf32, #tpu.memory_space<vmem_shared>>
        tpu.wait_indirect_dma semaphore(%arg16 : memref<!tpu.dma_semaphore, #tpu.memory_space<semaphore_mem>>) src(%arg9 : memref<112x128xf32, #tpu.memory_space<vmem>>) dst(%dma_wait3A_240 : memref<10240x128xf32, #tpu.memory_space<vmem_shared>>)
        %add3A_241 = arith.constant 3 : i32
        %add3A_242 = arith.addi %mul3A_191, %add3A_241 : i32
        %dma_start3A_243 = arith.constant 0 : i32
        %dma_start3A_244 = tpu.memref_slice %arg7[%add3A_242, %dma_start3A_243] : memref<18x112xi32, #tpu.memory_space<vmem>> -> memref<1x112xi32, #tpu.memory_space<vmem>>
        %dma_start3A_245 = tpu.memref_squeeze %dma_start3A_244 : memref<1x112xi32, #tpu.memory_space<vmem>> -> memref<112xi32, #tpu.memory_space<vmem>>
        %dma_start3A_246 = arith.constant 0 : i32
        %dma_start3A_247 = arith.constant 0 : i32
        %dma_start3A_248 = tpu.memref_slice %arg2[%dma_start3A_246, %dma_start3A_247] : memref<10000x128xf32, #tpu.memory_space<hbm>> -> memref<10000x128xf32, #tpu.memory_space<hbm>>
        tpu.enqueue_indirect_dma source(%dma_start3A_248 : memref<10000x128xf32, #tpu.memory_space<hbm>>) target(%arg9 : memref<112x128xf32, #tpu.memory_space<vmem>>) offsets(%dma_start3A_245 : memref<112xi32, #tpu.memory_space<vmem>>) semaphore(%arg13 : memref<!tpu.dma_semaphore, #tpu.memory_space<semaphore_mem>>)
        %add3A_249 = arith.constant 2 : i32
        %add3A_250 = arith.addi %mul3A_191, %add3A_249 : i32
        %dma_wait3A_251 = arith.constant 0 : i32
        %dma_wait3A_252 = tpu.memref_slice %arg7[%add3A_250, %dma_wait3A_251] : memref<18x112xi32, #tpu.memory_space<vmem>> -> memref<1x112xi32, #tpu.memory_space<vmem>>
        %dma_wait3A_253 = tpu.memref_squeeze %dma_wait3A_252 : memref<1x112xi32, #tpu.memory_space<vmem>> -> memref<112xi32, #tpu.memory_space<vmem>>
        %dma_wait3A_254 = arith.constant 0 : i32
        %dma_wait3A_255 = arith.constant 0 : i32
        %dma_wait3A_256 = tpu.memref_slice %arg2[%dma_wait3A_254, %dma_wait3A_255] : memref<10000x128xf32, #tpu.memory_space<hbm>> -> memref<10000x128xf32, #tpu.memory_space<hbm>>
        tpu.wait_indirect_dma semaphore(%arg15 : memref<!tpu.dma_semaphore, #tpu.memory_space<semaphore_mem>>) src(%dma_wait3A_256 : memref<10000x128xf32, #tpu.memory_space<hbm>>) dst(%arg11 : memref<112x128xf32, #tpu.memory_space<vmem>>)
        %add3A_257 = arith.constant 2 : i32
        %add3A_258 = arith.addi %mul3A_191, %add3A_257 : i32
        %dma_start3A_259 = arith.constant 0 : i32
        %dma_start3A_260 = tpu.memref_slice %arg8[%add3A_258, %dma_start3A_259] : memref<18x112xi32, #tpu.memory_space<vmem>> -> memref<1x112xi32, #tpu.memory_space<vmem>>
        %dma_start3A_261 = tpu.memref_squeeze %dma_start3A_260 : memref<1x112xi32, #tpu.memory_space<vmem>> -> memref<112xi32, #tpu.memory_space<vmem>>
        %dma_start3A_262 = arith.constant 0 : i32
        %dma_start3A_263 = arith.constant 0 : i32
        %dma_start3A_264 = tpu.memref_slice %arg12[%dma_start3A_262, %dma_start3A_263] : memref<10240x128xf32, #tpu.memory_space<vmem_shared>> -> memref<10240x128xf32, #tpu.memory_space<vmem_shared>>
        tpu.enqueue_indirect_dma source(%arg11 : memref<112x128xf32, #tpu.memory_space<vmem>>) target(%dma_start3A_264 : memref<10240x128xf32, #tpu.memory_space<vmem_shared>>) offsets(%dma_start3A_261 : memref<112xi32, #tpu.memory_space<vmem>>) semaphore(%arg18 : memref<!tpu.dma_semaphore, #tpu.memory_space<semaphore_mem>>) {add = true}
        %add3A_265 = arith.constant 1 : i32
        %add3A_266 = arith.addi %mul3A_191, %add3A_265 : i32
        %dma_wait3A_267 = arith.constant 0 : i32
        %dma_wait3A_268 = tpu.memref_slice %arg8[%add3A_266, %dma_wait3A_267] : memref<18x112xi32, #tpu.memory_space<vmem>> -> memref<1x112xi32, #tpu.memory_space<vmem>>
        %dma_wait3A_269 = tpu.memref_squeeze %dma_wait3A_268 : memref<1x112xi32, #tpu.memory_space<vmem>> -> memref<112xi32, #tpu.memory_space<vmem>>
        %dma_wait3A_270 = arith.constant 0 : i32
        %dma_wait3A_271 = arith.constant 0 : i32
        %dma_wait3A_272 = tpu.memref_slice %arg12[%dma_wait3A_270, %dma_wait3A_271] : memref<10240x128xf32, #tpu.memory_space<vmem_shared>> -> memref<10240x128xf32, #tpu.memory_space<vmem_shared>>
        tpu.wait_indirect_dma semaphore(%arg17 : memref<!tpu.dma_semaphore, #tpu.memory_space<semaphore_mem>>) src(%arg10 : memref<112x128xf32, #tpu.memory_space<vmem>>) dst(%dma_wait3A_272 : memref<10240x128xf32, #tpu.memory_space<vmem_shared>>)
        %add3A_273 = arith.constant 4 : i32
        %add3A_274 = arith.addi %mul3A_191, %add3A_273 : i32
        %dma_start3A_275 = arith.constant 0 : i32
        %dma_start3A_276 = tpu.memref_slice %arg7[%add3A_274, %dma_start3A_275] : memref<18x112xi32, #tpu.memory_space<vmem>> -> memref<1x112xi32, #tpu.memory_space<vmem>>
        %dma_start3A_277 = tpu.memref_squeeze %dma_start3A_276 : memref<1x112xi32, #tpu.memory_space<vmem>> -> memref<112xi32, #tpu.memory_space<vmem>>
        %dma_start3A_278 = arith.constant 0 : i32
        %dma_start3A_279 = arith.constant 0 : i32
        %dma_start3A_280 = tpu.memref_slice %arg2[%dma_start3A_278, %dma_start3A_279] : memref<10000x128xf32, #tpu.memory_space<hbm>> -> memref<10000x128xf32, #tpu.memory_space<hbm>>
        tpu.enqueue_indirect_dma source(%dma_start3A_280 : memref<10000x128xf32, #tpu.memory_space<hbm>>) target(%arg10 : memref<112x128xf32, #tpu.memory_space<vmem>>) offsets(%dma_start3A_277 : memref<112xi32, #tpu.memory_space<vmem>>) semaphore(%arg14 : memref<!tpu.dma_semaphore, #tpu.memory_space<semaphore_mem>>)
      }
      %scan3A_111 = arith.constant 4 : i32
      %dma_wait3A_112 = arith.constant 15 : i32
      %dma_wait3A_113 = arith.constant 0 : i32
      %dma_wait3A_114 = tpu.memref_slice %arg7[%dma_wait3A_112, %dma_wait3A_113] : memref<18x112xi32, #tpu.memory_space<vmem>> -> memref<1x112xi32, #tpu.memory_space<vmem>>
      %dma_wait3A_115 = tpu.memref_squeeze %dma_wait3A_114 : memref<1x112xi32, #tpu.memory_space<vmem>> -> memref<112xi32, #tpu.memory_space<vmem>>
      %dma_wait3A_116 = arith.constant 0 : i32
      %dma_wait3A_117 = arith.constant 0 : i32
      %dma_wait3A_118 = tpu.memref_slice %arg2[%dma_wait3A_116, %dma_wait3A_117] : memref<10000x128xf32, #tpu.memory_space<hbm>> -> memref<10000x128xf32, #tpu.memory_space<hbm>>
      tpu.wait_indirect_dma semaphore(%arg13 : memref<!tpu.dma_semaphore, #tpu.memory_space<semaphore_mem>>) src(%dma_wait3A_118 : memref<10000x128xf32, #tpu.memory_space<hbm>>) dst(%arg9 : memref<112x128xf32, #tpu.memory_space<vmem>>)
      %dma_start3A_119 = arith.constant 15 : i32
      %dma_start3A_120 = arith.constant 0 : i32
      %dma_start3A_121 = tpu.memref_slice %arg8[%dma_start3A_119, %dma_start3A_120] : memref<18x112xi32, #tpu.memory_space<vmem>> -> memref<1x112xi32, #tpu.memory_space<vmem>>
      %dma_start3A_122 = tpu.memref_squeeze %dma_start3A_121 : memref<1x112xi32, #tpu.memory_space<vmem>> -> memref<112xi32, #tpu.memory_space<vmem>>
      %dma_start3A_123 = arith.constant 0 : i32
      %dma_start3A_124 = arith.constant 0 : i32
      %dma_start3A_125 = tpu.memref_slice %arg12[%dma_start3A_123, %dma_start3A_124] : memref<10240x128xf32, #tpu.memory_space<vmem_shared>> -> memref<10240x128xf32, #tpu.memory_space<vmem_shared>>
      tpu.enqueue_indirect_dma source(%arg9 : memref<112x128xf32, #tpu.memory_space<vmem>>) target(%dma_start3A_125 : memref<10240x128xf32, #tpu.memory_space<vmem_shared>>) offsets(%dma_start3A_122 : memref<112xi32, #tpu.memory_space<vmem>>) semaphore(%arg16 : memref<!tpu.dma_semaphore, #tpu.memory_space<semaphore_mem>>) {add = true}
      %dma_wait3A_126 = arith.constant 14 : i32
      %dma_wait3A_127 = arith.constant 0 : i32
      %dma_wait3A_128 = tpu.memref_slice %arg8[%dma_wait3A_126, %dma_wait3A_127] : memref<18x112xi32, #tpu.memory_space<vmem>> -> memref<1x112xi32, #tpu.memory_space<vmem>>
      %dma_wait3A_129 = tpu.memref_squeeze %dma_wait3A_128 : memref<1x112xi32, #tpu.memory_space<vmem>> -> memref<112xi32, #tpu.memory_space<vmem>>
      %dma_wait3A_130 = arith.constant 0 : i32
      %dma_wait3A_131 = arith.constant 0 : i32
      %dma_wait3A_132 = tpu.memref_slice %arg12[%dma_wait3A_130, %dma_wait3A_131] : memref<10240x128xf32, #tpu.memory_space<vmem_shared>> -> memref<10240x128xf32, #tpu.memory_space<vmem_shared>>
      tpu.wait_indirect_dma semaphore(%arg18 : memref<!tpu.dma_semaphore, #tpu.memory_space<semaphore_mem>>) src(%arg11 : memref<112x128xf32, #tpu.memory_space<vmem>>) dst(%dma_wait3A_132 : memref<10240x128xf32, #tpu.memory_space<vmem_shared>>)
      %dma_start3A_133 = arith.constant 17 : i32
      %dma_start3A_134 = arith.constant 0 : i32
      %dma_start3A_135 = tpu.memref_slice %arg7[%dma_start3A_133, %dma_start3A_134] : memref<18x112xi32, #tpu.memory_space<vmem>> -> memref<1x112xi32, #tpu.memory_space<vmem>>
      %dma_start3A_136 = tpu.memref_squeeze %dma_start3A_135 : memref<1x112xi32, #tpu.memory_space<vmem>> -> memref<112xi32, #tpu.memory_space<vmem>>
      %dma_start3A_137 = arith.constant 0 : i32
      %dma_start3A_138 = arith.constant 0 : i32
      %dma_start3A_139 = tpu.memref_slice %arg2[%dma_start3A_137, %dma_start3A_138] : memref<10000x128xf32, #tpu.memory_space<hbm>> -> memref<10000x128xf32, #tpu.memory_space<hbm>>
      tpu.enqueue_indirect_dma source(%dma_start3A_139 : memref<10000x128xf32, #tpu.memory_space<hbm>>) target(%arg11 : memref<112x128xf32, #tpu.memory_space<vmem>>) offsets(%dma_start3A_136 : memref<112xi32, #tpu.memory_space<vmem>>) semaphore(%arg15 : memref<!tpu.dma_semaphore, #tpu.memory_space<semaphore_mem>>)
      %dma_wait3A_140 = arith.constant 16 : i32
      %dma_wait3A_141 = arith.constant 0 : i32
      %dma_wait3A_142 = tpu.memref_slice %arg7[%dma_wait3A_140, %dma_wait3A_141] : memref<18x112xi32, #tpu.memory_space<vmem>> -> memref<1x112xi32, #tpu.memory_space<vmem>>
      %dma_wait3A_143 = tpu.memref_squeeze %dma_wait3A_142 : memref<1x112xi32, #tpu.memory_space<vmem>> -> memref<112xi32, #tpu.memory_space<vmem>>
      %dma_wait3A_144 = arith.constant 0 : i32
      %dma_wait3A_145 = arith.constant 0 : i32
      %dma_wait3A_146 = tpu.memref_slice %arg2[%dma_wait3A_144, %dma_wait3A_145] : memref<10000x128xf32, #tpu.memory_space<hbm>> -> memref<10000x128xf32, #tpu.memory_space<hbm>>
      tpu.wait_indirect_dma semaphore(%arg14 : memref<!tpu.dma_semaphore, #tpu.memory_space<semaphore_mem>>) src(%dma_wait3A_146 : memref<10000x128xf32, #tpu.memory_space<hbm>>) dst(%arg10 : memref<112x128xf32, #tpu.memory_space<vmem>>)
      %dma_start3A_147 = arith.constant 16 : i32
      %dma_start3A_148 = arith.constant 0 : i32
      %dma_start3A_149 = tpu.memref_slice %arg8[%dma_start3A_147, %dma_start3A_148] : memref<18x112xi32, #tpu.memory_space<vmem>> -> memref<1x112xi32, #tpu.memory_space<vmem>>
      %dma_start3A_150 = tpu.memref_squeeze %dma_start3A_149 : memref<1x112xi32, #tpu.memory_space<vmem>> -> memref<112xi32, #tpu.memory_space<vmem>>
      %dma_start3A_151 = arith.constant 0 : i32
      %dma_start3A_152 = arith.constant 0 : i32
      %dma_start3A_153 = tpu.memref_slice %arg12[%dma_start3A_151, %dma_start3A_152] : memref<10240x128xf32, #tpu.memory_space<vmem_shared>> -> memref<10240x128xf32, #tpu.memory_space<vmem_shared>>
      tpu.enqueue_indirect_dma source(%arg10 : memref<112x128xf32, #tpu.memory_space<vmem>>) target(%dma_start3A_153 : memref<10240x128xf32, #tpu.memory_space<vmem_shared>>) offsets(%dma_start3A_150 : memref<112xi32, #tpu.memory_space<vmem>>) semaphore(%arg17 : memref<!tpu.dma_semaphore, #tpu.memory_space<semaphore_mem>>) {add = true}
      %dma_wait3A_154 = arith.constant 15 : i32
      %dma_wait3A_155 = arith.constant 0 : i32
      %dma_wait3A_156 = tpu.memref_slice %arg8[%dma_wait3A_154, %dma_wait3A_155] : memref<18x112xi32, #tpu.memory_space<vmem>> -> memref<1x112xi32, #tpu.memory_space<vmem>>
      %dma_wait3A_157 = tpu.memref_squeeze %dma_wait3A_156 : memref<1x112xi32, #tpu.memory_space<vmem>> -> memref<112xi32, #tpu.memory_space<vmem>>
      %dma_wait3A_158 = arith.constant 0 : i32
      %dma_wait3A_159 = arith.constant 0 : i32
      %dma_wait3A_160 = tpu.memref_slice %arg12[%dma_wait3A_158, %dma_wait3A_159] : memref<10240x128xf32, #tpu.memory_space<vmem_shared>> -> memref<10240x128xf32, #tpu.memory_space<vmem_shared>>
      tpu.wait_indirect_dma semaphore(%arg16 : memref<!tpu.dma_semaphore, #tpu.memory_space<semaphore_mem>>) src(%arg9 : memref<112x128xf32, #tpu.memory_space<vmem>>) dst(%dma_wait3A_160 : memref<10240x128xf32, #tpu.memory_space<vmem_shared>>)
      %dma_wait3A_161 = arith.constant 17 : i32
      %dma_wait3A_162 = arith.constant 0 : i32
      %dma_wait3A_163 = tpu.memref_slice %arg7[%dma_wait3A_161, %dma_wait3A_162] : memref<18x112xi32, #tpu.memory_space<vmem>> -> memref<1x112xi32, #tpu.memory_space<vmem>>
      %dma_wait3A_164 = tpu.memref_squeeze %dma_wait3A_163 : memref<1x112xi32, #tpu.memory_space<vmem>> -> memref<112xi32, #tpu.memory_space<vmem>>
      %dma_wait3A_165 = arith.constant 0 : i32
      %dma_wait3A_166 = arith.constant 0 : i32
      %dma_wait3A_167 = tpu.memref_slice %arg2[%dma_wait3A_165, %dma_wait3A_166] : memref<10000x128xf32, #tpu.memory_space<hbm>> -> memref<10000x128xf32, #tpu.memory_space<hbm>>
      tpu.wait_indirect_dma semaphore(%arg15 : memref<!tpu.dma_semaphore, #tpu.memory_space<semaphore_mem>>) src(%dma_wait3A_167 : memref<10000x128xf32, #tpu.memory_space<hbm>>) dst(%arg11 : memref<112x128xf32, #tpu.memory_space<vmem>>)
      %dma_start3A_168 = arith.constant 17 : i32
      %dma_start3A_169 = arith.constant 0 : i32
      %dma_start3A_170 = tpu.memref_slice %arg8[%dma_start3A_168, %dma_start3A_169] : memref<18x112xi32, #tpu.memory_space<vmem>> -> memref<1x112xi32, #tpu.memory_space<vmem>>
      %dma_start3A_171 = tpu.memref_squeeze %dma_start3A_170 : memref<1x112xi32, #tpu.memory_space<vmem>> -> memref<112xi32, #tpu.memory_space<vmem>>
      %dma_start3A_172 = arith.constant 0 : i32
      %dma_start3A_173 = arith.constant 0 : i32
      %dma_start3A_174 = tpu.memref_slice %arg12[%dma_start3A_172, %dma_start3A_173] : memref<10240x128xf32, #tpu.memory_space<vmem_shared>> -> memref<10240x128xf32, #tpu.memory_space<vmem_shared>>
      tpu.enqueue_indirect_dma source(%arg11 : memref<112x128xf32, #tpu.memory_space<vmem>>) target(%dma_start3A_174 : memref<10240x128xf32, #tpu.memory_space<vmem_shared>>) offsets(%dma_start3A_171 : memref<112xi32, #tpu.memory_space<vmem>>) semaphore(%arg18 : memref<!tpu.dma_semaphore, #tpu.memory_space<semaphore_mem>>) {add = true}
      %dma_wait3A_175 = arith.constant 16 : i32
      %dma_wait3A_176 = arith.constant 0 : i32
      %dma_wait3A_177 = tpu.memref_slice %arg8[%dma_wait3A_175, %dma_wait3A_176] : memref<18x112xi32, #tpu.memory_space<vmem>> -> memref<1x112xi32, #tpu.memory_space<vmem>>
      %dma_wait3A_178 = tpu.memref_squeeze %dma_wait3A_177 : memref<1x112xi32, #tpu.memory_space<vmem>> -> memref<112xi32, #tpu.memory_space<vmem>>
      %dma_wait3A_179 = arith.constant 0 : i32
      %dma_wait3A_180 = arith.constant 0 : i32
      %dma_wait3A_181 = tpu.memref_slice %arg12[%dma_wait3A_179, %dma_wait3A_180] : memref<10240x128xf32, #tpu.memory_space<vmem_shared>> -> memref<10240x128xf32, #tpu.memory_space<vmem_shared>>
      tpu.wait_indirect_dma semaphore(%arg17 : memref<!tpu.dma_semaphore, #tpu.memory_space<semaphore_mem>>) src(%arg10 : memref<112x128xf32, #tpu.memory_space<vmem>>) dst(%dma_wait3A_181 : memref<10240x128xf32, #tpu.memory_space<vmem_shared>>)
      %dma_wait3A_182 = arith.constant 17 : i32
      %dma_wait3A_183 = arith.constant 0 : i32
      %dma_wait3A_184 = tpu.memref_slice %arg8[%dma_wait3A_182, %dma_wait3A_183] : memref<18x112xi32, #tpu.memory_space<vmem>> -> memref<1x112xi32, #tpu.memory_space<vmem>>
      %dma_wait3A_185 = tpu.memref_squeeze %dma_wait3A_184 : memref<1x112xi32, #tpu.memory_space<vmem>> -> memref<112xi32, #tpu.memory_space<vmem>>
      %dma_wait3A_186 = arith.constant 0 : i32
      %dma_wait3A_187 = arith.constant 0 : i32
      %dma_wait3A_188 = tpu.memref_slice %arg12[%dma_wait3A_186, %dma_wait3A_187] : memref<10240x128xf32, #tpu.memory_space<vmem_shared>> -> memref<10240x128xf32, #tpu.memory_space<vmem_shared>>
      tpu.wait_indirect_dma semaphore(%arg18 : memref<!tpu.dma_semaphore, #tpu.memory_space<semaphore_mem>>) src(%arg11 : memref<112x128xf32, #tpu.memory_space<vmem>>) dst(%dma_wait3A_188 : memref<10240x128xf32, #tpu.memory_space<vmem_shared>>)
    }
    %scan3A_7 = arith.constant 5 : i32
    %barrier3A_8 = arith.constant 0 : index
    tpu.barrier barrier_id(%barrier3A_8)
    %mul3A_9 = arith.constant 640 : i32
    %mul3A_10 = arith.muli %arg1, %mul3A_9 : i32
    %mul3A_11 = arith.constant 10240 : i32
    %mul3A_12 = arith.muli %arg0, %mul3A_11 : i32
    %mul3A_13 = arith.constant 640 : i32
    %mul3A_14 = arith.muli %arg1, %mul3A_13 : i32
    %add3A_15 = arith.addi %mul3A_12, %mul3A_14 : i32
    "tpu.region"() ({
      %run_scoped3A = tpu.sem_alloc : memref<!tpu.dma_semaphore, #tpu.memory_space<semaphore_mem>>
      %dma_start3A = arith.constant 0 : i32
      %dma_start3A_16 = tpu.memref_slice %arg6[%add3A_15, %dma_start3A] : memref<20480x128xf32, #tpu.memory_space<hbm>> -> memref<640x128xf32, #tpu.memory_space<hbm>>
      %dma_start3A_17 = arith.constant 0 : i32
      %dma_start3A_18 = tpu.memref_slice %arg12[%mul3A_10, %dma_start3A_17] : memref<10240x128xf32, #tpu.memory_space<vmem_shared>> -> memref<640x128xf32, #tpu.memory_space<vmem_shared>>
      tpu.enqueue_dma source(%dma_start3A_18 : memref<640x128xf32, #tpu.memory_space<vmem_shared>>) target(%dma_start3A_16 : memref<640x128xf32, #tpu.memory_space<hbm>>) target_semaphore(%run_scoped3A : memref<!tpu.dma_semaphore, #tpu.memory_space<semaphore_mem>>)
      %dma_wait3A = arith.constant 0 : i32
      %dma_wait3A_19 = tpu.memref_slice %arg6[%add3A_15, %dma_wait3A] : memref<20480x128xf32, #tpu.memory_space<hbm>> -> memref<640x128xf32, #tpu.memory_space<hbm>>
      %dma_wait3A_20 = arith.constant 0 : i32
      %dma_wait3A_21 = tpu.memref_slice %arg12[%mul3A_10, %dma_wait3A_20] : memref<10240x128xf32, #tpu.memory_space<vmem_shared>> -> memref<640x128xf32, #tpu.memory_space<vmem_shared>>
      tpu.wait_dma2 semaphore(%run_scoped3A : memref<!tpu.dma_semaphore, #tpu.memory_space<semaphore_mem>>) src(%dma_wait3A_21 : memref<640x128xf32, #tpu.memory_space<vmem_shared>>) dst(%dma_wait3A_19 : memref<640x128xf32, #tpu.memory_space<hbm>>)
      tpu.yield
    }) : () -> ()
    return
  }
}

module attributes {stable_mosaic.version = 14 : i64} {
  func.func @_tc_h2_body(%arg0: i32, %arg1: memref<1000x128xf32, #tpu.memory_space<vmem>>, %arg2: memref<128x128xf32, #tpu.memory_space<vmem>>, %arg3: memref<1000x2xf32, #tpu.memory_space<vmem>>, %arg4: memref<1000x128xf32, #tpu.memory_space<vmem>>) attributes {dimension_semantics = [#tpu.dimension_semantics<arbitrary>], iteration_bounds = array<i64: 10>, scalar_prefetch = 0 : i64, scratch_operands = 0 : i64, tpu.core_type = #tpu.core_type<tc>, window_params = [{transform_indices = @transform_0, window_bounds = array<i64: 1000, 128>}, {pipeline_mode = #tpu.pipeline_mode<synchronous>, transform_indices = @transform_1, window_bounds = array<i64: 128, 128>}, {transform_indices = @transform_2, window_bounds = array<i64: 1000, 2>}, {transform_indices = @transform_3, window_bounds = array<i64: 1000, 128>}]} {
    %get3A = arith.constant 0 : index
    %get3A_0 = arith.constant 0 : index
    %get3A_1 = vector.load %arg1[%get3A, %get3A_0] : memref<1000x128xf32, #tpu.memory_space<vmem>>, vector<1000x128xf32>
    %get3A_2 = arith.constant 0 : index
    %get3A_3 = arith.constant 0 : index
    %get3A_4 = vector.load %arg2[%get3A_2, %get3A_3] : memref<128x128xf32, #tpu.memory_space<vmem>>, vector<128x128xf32>
    %dot_general3A = arith.constant dense<0.000000e+00> : vector<1000x128xf32>
    %dot_general3A_5 = tpu.matmul %get3A_1, %get3A_4, %dot_general3A {dimension_numbers = #tpu.dot_dimension_numbers<[1], [0], [0], [1], [0, 0, 1, 1], [], []>, transpose_lhs_hint = false} : vector<1000x128xf32>, vector<128x128xf32>, vector<1000x128xf32> -> vector<1000x128xf32>
    %get3A_6 = arith.constant 0 : index
    %get3A_7 = arith.constant 0 : index
    %get3A_8 = vector.load %arg3[%get3A_6, %get3A_7] : memref<1000x2xf32, #tpu.memory_space<vmem>>, vector<1000x1xf32>
    %get3A_9 = vector.shape_cast %get3A_8 : vector<1000x1xf32> to vector<1000xf32>
    %get3A_10 = arith.constant 0 : index
    %get3A_11 = arith.constant 1 : index
    %get3A_12 = vector.load %arg3[%get3A_10, %get3A_11] : memref<1000x2xf32, #tpu.memory_space<vmem>>, vector<1000x1xf32>
    %get3A_13 = vector.shape_cast %get3A_12 : vector<1000x1xf32> to vector<1000xf32>
    %add3A = arith.addf %get3A_9, %get3A_13 : vector<1000xf32>
    %add3A_14 = arith.constant 1.000000e+00 : f32
    %add3A_15 = vector.broadcast %add3A_14 : f32 to vector<1000xf32>
    %add3A_16 = arith.addf %add3A, %add3A_15 : vector<1000xf32>
    %rsqrt3A = math.rsqrt %add3A_16 : vector<1000xf32>
    %broadcast_in_dim3A = vector.shape_cast %rsqrt3A : vector<1000xf32> to vector<1000x1xf32>
    %mul3A = vector.broadcast %broadcast_in_dim3A : vector<1000x1xf32> to vector<1000x128xf32>
    %mul3A_17 = arith.mulf %dot_general3A_5, %mul3A : vector<1000x128xf32>
    %swap3A = arith.constant 0 : index
    %swap3A_18 = arith.constant 0 : index
    %swap3A_19 = vector.load %arg4[%swap3A, %swap3A_18] : memref<1000x128xf32, #tpu.memory_space<vmem>>, vector<1000x128xf32>
    tpu.vector_store %arg4[%swap3A, %swap3A_18], %mul3A_17 {strides = array<i32>} : memref<1000x128xf32, #tpu.memory_space<vmem>>, vector<1000x128xf32>,
    return
  }
  func.func @transform_0(%arg0: i32) -> (i32, i32) {
    %c0_i32 = arith.constant 0 : i32
    %c0_i32_0 = arith.constant 0 : i32
    return %arg0, %c0_i32 : i32, i32
  }
  func.func @transform_1(%arg0: i32) -> (i32, i32) {
    %c0_i32 = arith.constant 0 : i32
    %c0_i32_0 = arith.constant 0 : i32
    %c0_i32_1 = arith.constant 0 : i32
    return %c0_i32, %c0_i32_0 : i32, i32
  }
  func.func @transform_2(%arg0: i32) -> (i32, i32) {
    %c0_i32 = arith.constant 0 : i32
    %c0_i32_0 = arith.constant 0 : i32
    return %arg0, %c0_i32 : i32, i32
  }
  func.func @transform_3(%arg0: i32) -> (i32, i32) {
    %c0_i32 = arith.constant 0 : i32
    %c0_i32_0 = arith.constant 0 : i32
    return %arg0, %c0_i32 : i32, i32
  }
}

module attributes {stable_mosaic.version = 14 : i64} {
  func.func @_tc_out_body(%arg0: i32, %arg1: memref<2x1000x128xf32, #tpu.memory_space<vmem>>, %arg2: memref<1000x128xf32, #tpu.memory_space<vmem>>, %arg3: memref<1000x2xf32, #tpu.memory_space<vmem>>, %arg4: memref<1x128xf32, #tpu.memory_space<vmem>>, %arg5: memref<1000x128xf32, #tpu.memory_space<vmem>>) attributes {dimension_semantics = [#tpu.dimension_semantics<arbitrary>], iteration_bounds = array<i64: 10>, scalar_prefetch = 0 : i64, scratch_operands = 0 : i64, tpu.core_type = #tpu.core_type<tc>, window_params = [{transform_indices = @transform_0, window_bounds = array<i64: 2, 1000, 128>}, {transform_indices = @transform_1, window_bounds = array<i64: 1000, 128>}, {transform_indices = @transform_2, window_bounds = array<i64: 1000, 2>}, {pipeline_mode = #tpu.pipeline_mode<synchronous>, transform_indices = @transform_3, window_bounds = array<i64: 1, 128>}, {transform_indices = @transform_4, window_bounds = array<i64: 1000, 128>}]} {
    %get3A = arith.constant 0 : index
    %get3A_0 = arith.constant 0 : index
    %get3A_1 = arith.constant 0 : index
    %get3A_2 = vector.load %arg1[%get3A, %get3A_0, %get3A_1] : memref<2x1000x128xf32, #tpu.memory_space<vmem>>, vector<1x1000x128xf32>
    %get3A_3 = vector.shape_cast %get3A_2 : vector<1x1000x128xf32> to vector<1000x128xf32>
    %get3A_4 = arith.constant 1 : index
    %get3A_5 = arith.constant 0 : index
    %get3A_6 = arith.constant 0 : index
    %get3A_7 = vector.load %arg1[%get3A_4, %get3A_5, %get3A_6] : memref<2x1000x128xf32, #tpu.memory_space<vmem>>, vector<1x1000x128xf32>
    %get3A_8 = vector.shape_cast %get3A_7 : vector<1x1000x128xf32> to vector<1000x128xf32>
    %add3A = arith.addf %get3A_3, %get3A_8 : vector<1000x128xf32>
    %get3A_9 = arith.constant 0 : index
    %get3A_10 = arith.constant 0 : index
    %get3A_11 = vector.load %arg3[%get3A_9, %get3A_10] : memref<1000x2xf32, #tpu.memory_space<vmem>>, vector<1000x1xf32>
    %get3A_12 = vector.shape_cast %get3A_11 : vector<1000x1xf32> to vector<1000xf32>
    %get3A_13 = arith.constant 0 : index
    %get3A_14 = arith.constant 1 : index
    %get3A_15 = vector.load %arg3[%get3A_13, %get3A_14] : memref<1000x2xf32, #tpu.memory_space<vmem>>, vector<1000x1xf32>
    %get3A_16 = vector.shape_cast %get3A_15 : vector<1000x1xf32> to vector<1000xf32>
    %add3A_17 = arith.addf %get3A_12, %get3A_16 : vector<1000xf32>
    %add3A_18 = arith.constant 1.000000e+00 : f32
    %add3A_19 = vector.broadcast %add3A_18 : f32 to vector<1000xf32>
    %add3A_20 = arith.addf %add3A_17, %add3A_19 : vector<1000xf32>
    %rsqrt3A = math.rsqrt %add3A_20 : vector<1000xf32>
    %get3A_21 = arith.constant 0 : index
    %get3A_22 = arith.constant 0 : index
    %get3A_23 = vector.load %arg2[%get3A_21, %get3A_22] : memref<1000x128xf32, #tpu.memory_space<vmem>>, vector<1000x128xf32>
    %add3A_24 = arith.addf %add3A, %get3A_23 : vector<1000x128xf32>
    %broadcast_in_dim3A = vector.shape_cast %rsqrt3A : vector<1000xf32> to vector<1000x1xf32>
    %mul3A = vector.broadcast %broadcast_in_dim3A : vector<1000x1xf32> to vector<1000x128xf32>
    %mul3A_25 = arith.mulf %add3A_24, %mul3A : vector<1000x128xf32>
    %get3A_26 = arith.constant 0 : index
    %get3A_27 = arith.constant 0 : index
    %get3A_28 = vector.load %arg4[%get3A_26, %get3A_27] : memref<1x128xf32, #tpu.memory_space<vmem>>, vector<1x128xf32>
    %add3A_29 = vector.broadcast %get3A_28 : vector<1x128xf32> to vector<1000x128xf32>
    %add3A_30 = arith.addf %mul3A_25, %add3A_29 : vector<1000x128xf32>
    %swap3A = arith.constant 0 : index
    %swap3A_31 = arith.constant 0 : index
    %swap3A_32 = vector.load %arg5[%swap3A, %swap3A_31] : memref<1000x128xf32, #tpu.memory_space<vmem>>, vector<1000x128xf32>
    tpu.vector_store %arg5[%swap3A, %swap3A_31], %add3A_30 {strides = array<i32>} : memref<1000x128xf32, #tpu.memory_space<vmem>>, vector<1000x128xf32>,
    return
  }
  func.func @transform_0(%arg0: i32) -> (i32, i32, i32) {
    %c0_i32 = arith.constant 0 : i32
    %c0_i32_0 = arith.constant 0 : i32
    %c0_i32_1 = arith.constant 0 : i32
    return %c0_i32, %arg0, %c0_i32_0 : i32, i32, i32
  }
  func.func @transform_1(%arg0: i32) -> (i32, i32) {
    %c0_i32 = arith.constant 0 : i32
    %c0_i32_0 = arith.constant 0 : i32
    return %arg0, %c0_i32 : i32, i32
  }
  func.func @transform_2(%arg0: i32) -> (i32, i32) {
    %c0_i32 = arith.constant 0 : i32
    %c0_i32_0 = arith.constant 0 : i32
    return %arg0, %c0_i32 : i32, i32
  }
  func.func @transform_3(%arg0: i32) -> (i32, i32) {
    %c0_i32 = arith.constant 0 : i32
    %c0_i32_0 = arith.constant 0 : i32
    %c0_i32_1 = arith.constant 0 : i32
    return %c0_i32, %c0_i32_0 : i32, i32
  }
  func.func @transform_4(%arg0: i32) -> (i32, i32) {
    %c0_i32 = arith.constant 0 : i32
    %c0_i32_0 = arith.constant 0 : i32
    return %arg0, %c0_i32 : i32, i32
  }
}

</mosaic_0001>

<sc_bundles>
// kernel: kernel.6.cloned.1.call-start
scs
__scs_entry_jumppad:
0x0: {  	(pc) =	sbr.rel $0x88, $3  }
0x1: {  	(tag) =	ssettag $0x0;
	lr =	simm.s32 $0x1  }
0x2: {  	[smem:$0x3F9D] =	sst lr;
	_ =	strace $0xD0000000  }
0x3: {  	_ = 	snop  }
0x4: {  	_ = 	snop  }
0x5: {  	_ = 	snop  }
0x6: {  	_ = 	snop  }
0x7: {  	_ = 	snop  }
__scs_overlays_trampoline_lowered:
0x8: {  	[smem:$0x3FAC] =	sst s0  }
0x9: {  	[smem:$0x3FAD] =	sst s1  }
0xa: {  	[smem:$0x3FAE] =	sst s2  }
0xb: {  	[smem:$0x3FAF] =	sst s3  }
0xc: {  	[smem:$0x3FB0] =	sst s4  }
0xd: {  	[smem:$0x3FB1] =	sst s5  }
0xe: {  	[smem:$0x3FB2] =	sst s6  }
0xf: {  	[smem:$0x3FB3] =	sst s7  }
0x10: {  	[smem:$0x3FB4] =	sst s8  }
0x11: {  	[smem:$0x3FB5] =	sst s9;
	s0 =	simm.s32 @!p0 $0x0  }
0x12: {  	s1 =	sld [smem:$0x3F9B];
	s0 =	simm.s32 @p0 $0x1  }
0x13: {  	[smem:$0x3FB6] =	sst s0;
	s0 =	simm.s32 @!p1 $0x0  }
0x14: {  	s2 =	sld [smem:$0x3F9A];
	s0 =	simm.s32 @p1 $0x1  }
0x15: {  	[smem:$0x3FB7] =	sst s0;
	s0 =	simm.s32 @!p2 $0x0  }
0x16: {  	s3 =	sld [smem:$0x3FDB];
	s0 =	simm.s32 @p2 $0x1  }
0x17: {  	s4 =	simm.s32 $0x1BF5;
	[smem:$0x3FB9] =	sst s0  }
0x18: {  	s0 =	sld [smem:$0x3F9C];
	_ =	swait.ge [sflag:s4], $0x0  }
0x19: {  	s7 =	sld [smem:$0x3F9D]  }
0x1a: {  	s8 =	sadd.s32 $0xFFFFE003, lr  }
0x1b: {  	s9 =	sadd.s32 $0xFFFFFEF7, lr;
	s5 =	simm.s32 $0xFFFFFFFF;
	p2 =	slt.u32 s8, $0xFFFFF086  }
0x1c: {  	p1 =	slt.u32 s9, $0xF7A;
	s5 =	simm.s32 @!p2 $0x0  }
0x1d: {  	s5 =	simm.s32 @p1 $0x1;
	p0 =	seq.s32 s7, s2  }
0x1e: {  	s7 =	smul.u32 @!p0 $0xF7A, s2;
	p2 =	seq.s32 @!p0 s5, $0x0  }
0x1f: {  	s9 =	smul.u32 $0xF7A, s1;
	s8 =	simm.s32 @!p0 $0x1BF5;
	p2 =	por !p2, p0  }
0x20: {  	[sflag:s8] =	ssyncset.s32 @!p0 $0xFFFFF086;
	s6 =	sadd.s32 @!p0 s3, s7;
	s7 =	simm.s32 @!p0 $0x108  }
0x21: {  	s3 =	sadd.s32 s3, s9;
	s6 =	sadd.s32 @!p0 $0x88, s6;
	s7 =	simm.s32 @p2 $0x1082  }
0x22: {  	[simem:s7], [sflag:s8] =	dma.local @!p0 [hbm:s6], $0xF7A  }
0x23: {  	s9 =	sor.u32 $0xD0000000, s2;
	s6 =	simm.s32 $0x108;
	_ =	swait.ge @!p0 [sflag:s8], $0x0  }
0x24: {  	s3 =	sadd.s32 $0x88, s3;
	s6 =	simm.s32 @!p1 $0x1082;
	[sflag:s4] =	ssyncset.s32 $0xFFFFF086  }
0x25: {  	[simem:s6], [sflag:s4] =	dma.local [hbm:s3], $0xF7A  }
0x26: {  	[smem:$0x3F9D] =	sst s1;
	(tag) =	ssettag s2;
	_ =	strace s9  }
0x27: {  	s1 =	sld [smem:$0x3FAD]  }
0x28: {  	s2 =	sld [smem:$0x3FAE]  }
0x29: {  	s4 =	sld [smem:$0x3FB0]  }
0x2a: {  	p0 =	seq.s32 s5, $0x0;
	s5 =	sld [smem:$0x3FB1]  }
0x2b: {  	s6 =	sld [smem:$0x3FB2]  }
0x2c: {  	s7 =	sld [smem:$0x3FB3]  }
0x2d: {  	s3 =	simm.s32 $0x108;
	s8 =	sld [smem:$0x3FB4]  }
0x2e: {  	s3 =	simm.s32 @!p0 $0x1082;
	s9 =	sld [smem:$0x3FB5]  }
0x2f: {  	lr =	sadd.s32 s0, s3;
	s0 =	sld [smem:$0x3FAC]  }
0x30: {  	s3 =	sld [smem:$0x3FAF]  }
0x31: {  	[smem:$0x3FB8] =	sst s10  }
0x32: {  	s10 =	sld [smem:$0x3FB6];
	_ =	sdelay $0x3  }
0x33: {  	p0 =	seq.s32 s10, $0x1;
	s10 =	sld [smem:$0x3FB8];
	_ =	sdelay $0x3  }
0x34: {  	[smem:$0x3FB8] =	sst s10  }
0x35: {  	s10 =	sld [smem:$0x3FB7];
	_ =	sdelay $0x3  }
0x36: {  	p1 =	seq.s32 s10, $0x1;
	s10 =	sld [smem:$0x3FB8];
	_ =	sdelay $0x3  }
0x37: {  	[smem:$0x3FB8] =	sst s10  }
0x38: {  	s10 =	sld [smem:$0x3FB9]  }
0x39: {  	_ = 	snop;
	(pc) =	sbr.ind lr, $3  }
0x3a: {  	_ = 	snop  }
0x3b: {  	_ = 	snop  }
0x3c: {  	p2 =	seq.s32 s10, $0x1;
	s10 =	sld [smem:$0x3FB8]  }
0x3d: {  	_ =	shalt  }
0x3e: {  	_ =	shalt  }
0x3f: {  	_ =	shalt  }
0x40: {  	_ =	shalt  }
0x41: {  	_ =	shalt  }
0x42: {  	_ =	shalt  }
0x43: {  	_ =	shalt  }
0x44: {  	_ =	shalt  }
0x45: {  	_ =	shalt  }
0x46: {  	_ =	shalt  }
0x47: {  	_ =	shalt  }
0x48: {  	_ =	shalt  }
0x49: {  	_ =	shalt  }
0x4a: {  	_ =	shalt  }
0x4b: {  	_ =	shalt  }
0x4c: {  	_ =	shalt  }
0x4d: {  	_ =	shalt  }
0x4e: {  	_ =	shalt  }
0x4f: {  	_ =	shalt  }
0x50: {  	_ =	shalt  }
0x51: {  	_ =	shalt  }
0x52: {  	_ =	shalt  }
0x53: {  	_ =	shalt  }
0x54: {  	_ =	shalt  }
0x55: {  	_ =	shalt  }
0x56: {  	_ =	shalt  }
0x57: {  	_ =	shalt  }
0x58: {  	_ =	shalt  }
0x59: {  	_ =	shalt  }
0x5a: {  	_ =	shalt  }
0x5b: {  	_ =	shalt  }
0x5c: {  	_ =	shalt  }
0x5d: {  	_ =	shalt  }
0x5e: {  	_ =	shalt  }
0x5f: {  	_ =	shalt  }
0x60: {  	_ =	shalt  }
0x61: {  	_ =	shalt  }
0x62: {  	_ =	shalt  }
0x63: {  	_ =	shalt  }
0x64: {  	_ =	shalt  }
0x65: {  	_ =	shalt  }
0x66: {  	_ =	shalt  }
0x67: {  	_ =	shalt  }
0x68: {  	_ =	shalt  }
0x69: {  	_ =	shalt  }
0x6a: {  	_ =	shalt  }
0x6b: {  	_ =	shalt  }
0x6c: {  	_ =	shalt  }
0x6d: {  	_ =	shalt  }
0x6e: {  	_ =	shalt  }
0x6f: {  	_ =	shalt  }
0x70: {  	_ =	shalt  }
0x71: {  	_ =	shalt  }
0x72: {  	_ =	shalt  }
0x73: {  	_ =	shalt  }
0x74: {  	_ =	shalt  }
0x75: {  	_ =	shalt  }
0x76: {  	_ =	shalt  }
0x77: {  	_ =	shalt  }
0x78: {  	_ =	shalt  }
0x79: {  	_ =	shalt  }
0x7a: {  	_ =	shalt  }
0x7b: {  	_ =	shalt  }
0x7c: {  	_ =	shalt  }
0x7d: {  	_ =	shalt  }
0x7e: {  	_ =	shalt  }
0x7f: {  	_ =	shalt  }
0x80: {  	_ =	shalt  }
0x81: {  	_ =	shalt  }
0x82: {  	_ =	shalt  }
0x83: {  	_ =	shalt  }
0x84: {  	_ =	shalt  }
0x85: {  	_ =	shalt  }
0x86: {  	_ =	shalt  }
0x87: {  	_ =	shalt  }
.Lfunc_end0:
.L_simem_size_0:
called_computation_lowered:
.L_overlay_start_0:
0x88: {  	s2 =	sld [smem:$0x3FD9]  }
0x89: {  	s3 =	sld [smem:$0x3FFE];
	_ =	sdelay $0x1  }
0x8a: {  	s1 =	srdreg.scid  }
0x8b: {  	s0 =	sand.u32 $0x1, s1  }
0x8c: {  	s17 =	sshll.u32 s0, $0xA;
	s2 =	sadd.s32 s3, s2  }
0x8d: {  	s2 =	sadd.s32 s2, s17  }
0x8e: {  	[smem:$0x3FC4] =	sst s2  }
0x8f: {  	_ = 	snop  }
0x90: {  	s2 =	sld [smem:$0x3FD0];
	(tm) =	ssettm $0x1  }
0x91: {  	s18 =	sld [smem:$0x3FFB];
	_ =	sdelay $0x3  }
0x92: {  	_ =	strace s18  }
0x93: {  	s3 =	sld [smem:$0x3FFC];
	_ =	sdelay $0x3  }
0x94: {  	_ =	strace s3  }
0x95: {  	s3 =	sld [smem:$0x3FFD];
	_ =	sdelay $0x3  }
0x96: {  	_ =	strace s3  }
0x97: {  	_ =	strace $0x8FFFFFFF  }
0x98: {  	s19 =	sld [smem:$0x3FDB];
	_ =	sdelay $0x1  }
0x99: {  	s4 =	simm.s32 $_scs_section_size  }
0x9a: {  	s5 =	simm.s32 $_size__tile_overlayer_lowered;
	s6 =	simm.s32 $_tile_overlayer_lowered  }
0x9b: {  	s22 =	simm.s32 $0x1BFF;
	s21 =	sshll.u32 s6, $0x1;
	s3 =	sadd.s32 s4, s19  }
0x9c: {  	s7 =	simm.s32 $0x0;
	s20 =	sshll.u32 s5, $0x1;
	s5 =	sadd.s32 s21, s3  }
0x9d: {  	[timem:s7], [sflag:s22] =	dma.local [hbm:s5], s20  }
0x9e: {  	_ =	swait.ge [sflag:s22], s20  }
0x9f: {  	s4 =	ssub.s32 $0x0, s20;
	[sflag:s22] =	ssyncset.done $0x0  }
0xa0: {  	[sflag:s22] =	ssyncadd.s32 s4;
	_ =	sdelay $0x1  }
0xa1: {  	s23 =	simm.s32 $0x1B8B  }
0xa2: {  	_ =	swait.ge [sflag:s23], $0x1  }
0xa3: {  	[sflag:s23] =	ssyncset.done $0x0  }
0xa4: {  	s25 =	simm.s32 $0x1B8E;
	s24 =	sld [smem:$0x3FFE];
	[sflag:s23] =	ssyncadd.s32 $0xFFFFFFFF  }
0xa5: {  	s26 =	simm.s32 $execute0_lowered;
	[smem:$0x3FD2] =	sst s25  }
0xa6: {  	s5 =	sshll.u32 s26, $0x1;
	_ =	strace $0x80000046;
	[dreg:$0x1] =	wrdreg $0xFFFFFFFF  }
0xa7: {  	s28 =	simm.s32 $_size_execute0_lowered;
	s3 =	sadd.s32 s3, s5;
	[dreg:$0x0] =	wrdreg $0x0  }
0xa8: {  	s5 =	sshll.u32 s28, $0x1;
	[dreg:$0x2] =	wrdreg s3  }
0xa9: {  	[dreg:$0x3] =	wrdreg s5  }
0xaa: {  	[dreg:$0x4] =	wrdreg $0xC0  }
0xab: {  	_ =	task [dreg:s7], $0x5FFFF  }
0xac: {  	[dreg:$0x1] =	wrdreg $0xFFFFFFFF  }
0xad: {  	[dreg:$0x0] =	wrdreg $0x60  }
0xae: {  	[dreg:$0x2] =	wrdreg s2  }
0xaf: {  	[dreg:$0x3] =	wrdreg s24  }
0xb0: {  	[dreg:$0x4] =	wrdreg $0x63000  }
0xb1: {  	[dreg:$0x5] =	wrdreg $0x9  }
0xb2: {  	_ =	task.clear_ibuf [dreg:s7], $0x6FFFF;
	_ =	strace $0x90000046  }
0xb3: {  	s29 =	simm.s32 $0x9;
	_ =	strace $0x80000048  }
0xb4: {  	_ =	swait.ge [sflag:s29], $0x1  }
0xb5: {  	[sflag:s29] =	ssyncadd.s32 $0xFFFFFFFF  }
0xb6: {  	_ =	strace $0x90000048  }
0xb7: {  	_ =	sfence  }
0xb8: {  	s30 =	sld [smem:$0x0];
	_ =	sdelay $0x2  }
0xb9: {  	s31 =	sshll.u32 s1, $0xD;
	s1 =	sshrl.u32 s1, $0x2  }
0xba: {  	s3 =	sand.u32 $0x4000, s31;
	s1 =	sadd.s32 s1, s30  }
0xbb: {  	s0 =	sor.u32 s3, s0;
	s1 =	sshll.u32 s1, $0x11  }
0xbc: {  	s0 =	sor.u32 s1, s0  }
0xbd: {  	s0 =	sadd.s32 $0x8F2B, s0  }
0xbe: {  	[sflag:s0] =	ssyncadd.remote.s32 $0x1  }
0xbf: {  	_ =	sfence.sel $0xFFFF  }
0xc0: {  	[dreg:$0x0] =	wrdreg $0xFFFFFFFF;
	(pc) =	sbr.abs _section_cstart, $3  }
0xc1: {  	[dreg:$0x1] =	wrdreg $0xFFFFFFFF  }
0xc2: {  	_ =	task.clear_ibuf [dreg:s7], $0x2FFFF;
	_ =	strace $0x9FFFFFFF  }
0xc3: {  	(tm) =	ssettm $0x7FFFFFFF  }
tec
execute0_lowered:
.L_overlay_start_1:
0x0: {  	(tag) =	ssettag $0x1  }
0x1: {  	s4 =	rddreg [dreg:$0x0]  }
0x2: {  	s1 =	srdreg.scid;
	s5 =	rddreg [dreg:$0x1]  }
0x3: {  	s0 =	stileid.u32;
	s2 =	rddreg [dreg:$0x2]  }
0x4: {  	s3 =	simm.s32 $0x0;
	s11 =	simm.s32 $0x3000;
	s12 =	simm.s32 $0x6080  }
0x5: {  	s13 =	simm.s32 $0x70;
	s14 =	simm.s32 $0x6000;
	s17 =	simm.s32 $0x0  }
0x6: {  	s6 =	sand.u32 $0x1, s1;
	s7 =	smul.u32 $0x280, s0;
	s1 =	rddreg [dreg:$0x3]  }
0x7: {  	[smem:$0x7FF] =	sst s3;
	s15 =	sshll.u32 s0, $0x6;
	s9 =	sshll.u32 s6, $0x4  }
0x8: {  	s8 =	smul.u32 $0x2800, s6;
	s6 =	ssub.s32 $0x2, s6;
	s9 =	sor.u32 s0, s9  }
0x9: {  	_ =	strace $0x80000047;
	s30 =	sshrl.u32 s6, $0x1;
	s9 =	smul.u32 $0x3000, s9  }
0xa: {  	s15 =	sor.u32 $0x1C01, s15;
	s8 =	sadd.s32 s7, s8;
	s31 =	ssub.s32 s6, s30  }
0xb: {  	s6 =	sadd.s32 s7, s2;
	s8 =	sshrl.u32 s8, $0x3;
	s9 =	sshrl.u32 s9, $0x3  }
0xc: {  	s16 =	sshrl.u32 s6, $0x3;
	s8 =	sadd.s32 s8, s5;
	s10 =	sadd.s32 s9, s5  }
0xd: {  	s4 =	sadd.s32 s4, s9;
	s8 =	sadd.s32 $0x2600, s8;
	s9 =	smax.u32 s31, $0x1  }
0xe: {  	v0 =	vimm.f32 $1.000000000e+00;
	v1 =	vimm.f32 $0.0e+00;
	s5 =	sadd.s32 $0xC000, s4;
	s7 =	sadd.s32 $0x3000, s10;
	s10 =	simm.s32 $0x1  }
.LBB2_1:
0xf: {  	[tilespmem:s3], [sflag:$0x1] =	stream.linear.gather [hbm4b:s4+s3], $0x2D00, $0x38;
	[tilespmem:$0x6580] =	vst v63  }
0x10: {  	_ =	swait.ge [sflag:s10], $0x2D00  }
0x11: {  	[sflag:s10] =	ssyncset.done $0x0  }
0x12: {  	[sflag:s10] =	ssyncadd.s32 $0xFFFFD300  }
0x13: {  	[tilespmem:s11], [sflag:$0x1] =	stream.linear.gather [hbm4b:s5+s3], $0x2D00, $0x38;
	[tilespmem:$0x6580] =	vst v63  }
0x14: {  	_ =	swait.ge [sflag:s10], $0x2D00  }
0x15: {  	[sflag:s10] =	ssyncset.done $0x0  }
0x16: {  	[sflag:s10] =	ssyncadd.s32 $0xFFFFD300  }
0x17: {  	[tilespmem:$0x6000] =	vst v0  }
0x18: {  	[tilespmem:$0x6010] =	vst v0  }
0x19: {  	[tilespmem:$0x6020] =	vst v0  }
0x1a: {  	[tilespmem:$0x6030] =	vst v0  }
0x1b: {  	[tilespmem:$0x6040] =	vst v0  }
0x1c: {  	[tilespmem:$0x6050] =	vst v0  }
0x1d: {  	[tilespmem:$0x6060] =	vst v0  }
0x1e: {  	[tilespmem:$0x6080] =	vst v1  }
0x1f: {  	[tilespmem:$0x6090] =	vst v1  }
0x20: {  	[tilespmem:$0x60A0] =	vst v1  }
0x21: {  	[tilespmem:$0x60B0] =	vst v1  }
0x22: {  	[tilespmem:$0x60C0] =	vst v1  }
0x23: {  	[tilespmem:$0x60D0] =	vst v1  }
0x24: {  	[tilespmem:$0x60E0] =	vst v1  }
0x25: {  	[tilespmem:$0x60F0] =	vst v1  }
0x26: {  	[tilespmem:$0x6100] =	vst v1  }
0x27: {  	[tilespmem:$0x6110] =	vst v1  }
0x28: {  	[tilespmem:$0x6120] =	vst v1  }
0x29: {  	[tilespmem:$0x6130] =	vst v1  }
0x2a: {  	[tilespmem:$0x6140] =	vst v1  }
0x2b: {  	[tilespmem:$0x6150] =	vst v1  }
0x2c: {  	[tilespmem:$0x6160] =	vst v1  }
0x2d: {  	[tilespmem:$0x6170] =	vst v1  }
0x2e: {  	[tilespmem:$0x6180] =	vst v1  }
0x2f: {  	[tilespmem:$0x6190] =	vst v1  }
0x30: {  	[tilespmem:$0x61A0] =	vst v1  }
0x31: {  	[tilespmem:$0x61B0] =	vst v1  }
0x32: {  	[tilespmem:$0x61C0] =	vst v1  }
0x33: {  	[tilespmem:$0x61D0] =	vst v1  }
0x34: {  	[tilespmem:$0x61E0] =	vst v1  }
0x35: {  	[tilespmem:$0x61F0] =	vst v1  }
0x36: {  	[tilespmem:$0x6200] =	vst v1  }
0x37: {  	[tilespmem:$0x6210] =	vst v1  }
0x38: {  	[tilespmem:$0x6220] =	vst v1  }
0x39: {  	[tilespmem:$0x6230] =	vst v1  }
0x3a: {  	[tilespmem:$0x6240] =	vst v1  }
0x3b: {  	[tilespmem:$0x6250] =	vst v1  }
0x3c: {  	[tilespmem:$0x6260] =	vst v1  }
0x3d: {  	[tilespmem:$0x6270] =	vst v1  }
0x3e: {  	[tilespmem:$0x6280] =	vst v1  }
0x3f: {  	[tilespmem:$0x6290] =	vst v1  }
0x40: {  	[tilespmem:$0x62A0] =	vst v1  }
0x41: {  	[tilespmem:$0x62B0] =	vst v1  }
0x42: {  	[tilespmem:$0x62C0] =	vst v1  }
0x43: {  	[tilespmem:$0x62D0] =	vst v1  }
0x44: {  	[tilespmem:$0x62E0] =	vst v1  }
0x45: {  	[tilespmem:$0x62F0] =	vst v1  }
0x46: {  	[spmem:s6] =	stream.linear.scatter [tilespmem:s12], [sflag:$0x1], $0x280, $0x38;
	[tilespmem:$0x6580] =	vst v63  }
0x47: {  	_ =	swait.ge [sflag:s10], $0x280  }
0x48: {  	[sflag:s10] =	ssyncset.done $0x0  }
0x49: {  	s18 =	simm.s32 $0x0;
	[sflag:s10] =	ssyncadd.s32 $0xFFFFFD80  }
0x4a: {  	v8 =	vld [tilespmem:s18+$0x0]  }
0x4b: {  	v7 =	vld [tilespmem:s18+$0x10]  }
0x4c: {  	v6 =	vld [tilespmem:s18+$0x20]  }
0x4d: {  	v5 =	vld [tilespmem:s18+$0x30]  }
0x4e: {  	v4 =	vld [tilespmem:s18+$0x40]  }
0x4f: {  	v3 =	vld [tilespmem:s18+$0x50]  }
0x50: {  	v2 =	vld [tilespmem:s18+$0x60]  }
0x51: {  	v18 =	vld [tilespmem:s18+$0x3000]  }
0x52: {  	v16 =	vld [tilespmem:s18+$0x3010]  }
0x53: {  	v13 =	vld [tilespmem:s18+$0x3020]  }
0x54: {  	v12 =	vld [tilespmem:s18+$0x3030];
	v19 =	vand.u32 $0x7F, v8;
	v17 =	vand.u32 $0x7F, v7;
	v15 =	vand.u32 $0x7F, v6  }
0x55: {  	s19 =	simm.s32 $0x200;
	v10 =	vld [tilespmem:s18+$0x3040];
	v14 =	vand.u32 $0x7F, v5;
	v11 =	vand.u32 $0x7F, v4;
	v9 =	vand.u32 $0x7F, v3  }
.LBB2_2:
0x56: {  	p0 =	sne.s32 s19, $0xB200;
	vm0 =	veq.s32 v8, v18;
	v18 =	vadd.s32 $0x2710, v19;
	v19 =	vld [tilespmem:s18+$0x3050];
	v20 =	vand.u32 $0x7F, v2  }
0x57: {  	s20 =	sshra.s32 s19, $0x2;
	v18 =	vsel vm0, v18, v8;
	vm0 =	veq.s32 v7, v16;
	v16 =	vadd.s32 $0x2710, v17;
	v17 =	vld [tilespmem:s18+$0x3060]  }
0x58: {  	v8 =	vld [tilespmem:s20+$0x0];
	[tilespmem:s18+$0x3000] =	vst v18;
	v16 =	vsel vm0, v16, v7;
	vm0 =	veq.s32 v6, v13;
	v13 =	vadd.s32 $0x2710, v15  }
0x59: {  	v7 =	vld [tilespmem:s20+$0x10];
	[tilespmem:s18+$0x3010] =	vst v16;
	v13 =	vsel vm0, v13, v6;
	vm0 =	veq.s32 v5, v12;
	v12 =	vadd.s32 $0x2710, v14  }
0x5a: {  	v6 =	vld [tilespmem:s20+$0x20];
	[tilespmem:s18+$0x3020] =	vst v13;
	v12 =	vsel vm0, v12, v5;
	vm0 =	veq.s32 v4, v10;
	v10 =	vadd.s32 $0x2710, v11  }
0x5b: {  	v9 =	vadd.s32 $0x2710, v9;
	v5 =	vld [tilespmem:s20+$0x30];
	[tilespmem:s18+$0x3030] =	vst v12;
	v10 =	vsel vm0, v10, v4;
	vm0 =	veq.s32 v3, v19  }
0x5c: {  	v4 =	vld [tilespmem:s20+$0x40];
	[tilespmem:s18+$0x3040] =	vst v10;
	v9 =	vsel vm0, v9, v3;
	vm0 =	veq.s32 v2, v17;
	v10 =	vadd.s32 $0x2710, v20  }
0x5d: {  	v3 =	vld [tilespmem:s20+$0x50];
	[tilespmem:s18+$0x3050] =	vst v9;
	v9 =	vsel vm0, v10, v2  }
0x5e: {  	v2 =	vld [tilespmem:s20+$0x60];
	[tilespmem:s18+$0x3060] =	vst v9;
	s18 =	smov.u32 s20  }
.Ltmp0:
0x5f: {  	v18 =	vld [tilespmem:s18+$0x3000];
	(pc) =	sbr.rel @p0 .LBB2_2-.Ltmp0, $4  }
0x60: {  	v16 =	vld [tilespmem:s18+$0x3010]  }
0x61: {  	v13 =	vld [tilespmem:s18+$0x3020]  }
0x62: {  	v19 =	vand.u32 $0x7F, v8;
	v17 =	vand.u32 $0x7F, v7;
	v15 =	vand.u32 $0x7F, v6;
	v12 =	vld [tilespmem:s18+$0x3030]  }
0x63: {  	s19 =	sadd.s32 $0x200, s19;
	v14 =	vand.u32 $0x7F, v5;
	v11 =	vand.u32 $0x7F, v4;
	v9 =	vand.u32 $0x7F, v3;
	v10 =	vld [tilespmem:s18+$0x3040]  }
0x64: {  	vm0 =	veq.s32 v8, v18;
	v55 =	vadd.s32 $0x2710, v19;
	v56 =	vld [tilespmem:s18+$0x3050];
	v20 =	vand.u32 $0x7F, v2  }
0x65: {  	v57 =	vadd.s32 $0x2710, v17;
	v58 =	vld [tilespmem:s18+$0x3060];
	v8 =	vsel vm0, v55, v8;
	vm10 =	veq.s32 v7, v16  }
0x66: {  	v59 =	vadd.s32 $0x2710, v15;
	[tilespmem:s18+$0x3000] =	vst v8;
	v7 =	vsel vm10, v57, v7;
	vm11 =	veq.s32 v6, v13  }
0x67: {  	v60 =	vadd.s32 $0x2710, v14;
	[tilespmem:s18+$0x3010] =	vst v7;
	v6 =	vsel vm11, v59, v6;
	vm12 =	veq.s32 v5, v12  }
0x68: {  	v61 =	vadd.s32 $0x2710, v11;
	[tilespmem:s18+$0x3020] =	vst v6;
	v5 =	vsel vm12, v60, v5;
	vm13 =	veq.s32 v4, v10  }
0x69: {  	v62 =	vadd.s32 $0x2710, v9;
	[tilespmem:s18+$0x3030] =	vst v5;
	v4 =	vsel vm13, v61, v4;
	vm14 =	veq.s32 v3, v56  }
0x6a: {  	v63 =	vadd.s32 $0x2710, v20;
	vm15 =	veq.s32 v2, v58;
	[tilespmem:s18+$0x3040] =	vst v4;
	v3 =	vsel vm14, v62, v3  }
0x6b: {  	v2 =	vsel vm15, v63, v2;
	[tilespmem:s18+$0x3050] =	vst v3  }
0x6c: {  	s30 =	simm.s32 $0x0;
	[tilespmem:s18+$0x3060] =	vst v2  }
0x6d: {  	[hbm4b:s7+s30] =	stream.linear.scatter [tilespmem:s11], [sflag:$0x1], $0x2D00, $0x38;
	[tilespmem:$0x6580] =	vst v63  }
0x6e: {  	_ =	swait.ge [sflag:s10], $0x2D00  }
0x6f: {  	[sflag:s10] =	ssyncset.done $0x0  }
0x70: {  	[sflag:s10] =	ssyncadd.s32 $0xFFFFD300  }
0x71: {  	s31 =	simm.s32 $0x3000;
	[bflag:$0x0] =	sbarrier.arrive $0xFFFF  }
0x72: {  	[spmem:s2] =	stream.indirect.scatter.add.f32 [tilespmem:s14], [sflag:$0x1], $0x1, s31, s13, $0xb8;
	[tilespmem:$0x6580] =	vst v63  }
0x73: {  	s18 =	simm.s32 $0x200;
	_ =	swait.ge [sflag:s10], $0x70  }
.LBB2_4:
0x74: {  	s19 =	sshra.s32 s18, $0x2;
	[sflag:s10] =	ssyncset.done $0x0;
	p0 =	sne.s32 s18, $0xB200  }
.Ltmp1:
0x75: {  	s19 =	sadd.s32 $0x3000, s19;
	[sflag:s10] =	ssyncadd.s32 $0xFFFFFF90;
	(pc) =	sbr.rel @p0 .LBB2_4-.Ltmp1, $3  }
0x76: {  	[spmem:s2] =	stream.indirect.scatter.add.f32 [tilespmem:s14], [sflag:$0x1], $0x1, s19, s13, $0xb8;
	[tilespmem:$0x6580] =	vst v63  }
0x77: {  	s18 =	sadd.s32 $0x200, s18;
	_ =	sdelay $0x1  }
0x78: {  	_ =	swait.ge [sflag:s10], $0x70  }
0x79: {  	[sflag:s10] =	ssyncset.done $0x0;
	s17 =	sadd.s32 $0x1, s17  }
0x7a: {  	[sflag:s10] =	ssyncadd.s32 $0xFFFFFF90;
	p0 =	sne.s32 s17, s9  }
.Ltmp2:
0x7b: {  	[bflag:$0x0] =	sbarrier.arrive $0xFFFF;
	(pc) =	sbr.rel @p0 .LBB2_1-.Ltmp2, $4  }
0x7c: {  	[hbm:s8], [sflag:s15] =	dma.local [spmem:s16], $0x50  }
0x7d: {  	_ =	swait.ge [sflag:s10], $0x50  }
0x7e: {  	[sflag:s10] =	ssyncset.done $0x0  }
0x7f: {  	[sflag:s10] =	ssyncadd.s32 $0xFFFFFFB0  }
0x80: {  	_ =	sfence.sel $0x180000  }
0x81: {  	[bflag:$0x0] =	sbarrier.arrive $0xFFFF  }
0x82: {  	p0 =	sne.s32 s0, $0x0;
	_ =	strace $0x90000047  }
0x83: {  	s0 =	sadd.s32 @!p0 $0x100000, s1;
	[bflag:$0x2] =	sbarrier.arrive $0xFFFF  }
0x84: {  	[sflag:s0] =	ssyncadd.tile.s32 @!p0 $0x1;
	_ =	shalt  }
.Lfunc_end2:
_tile_overlayer_lowered:
.L_overlay_start_2:
0x85: {  	(tag) =	ssettag $0x2  }
0x86: {  	s0 =	rddreg [dreg:$0x0];
	s2 =	stileid.u32  }
0x87: {  	s1 =	rddreg [dreg:$0x1];
	p0 =	sne.s32 s2, $0x0  }
0x88: {  	s3 =	rddreg [dreg:$0x2];
	[bflag:$0x3] =	sbarrier.arrive $0xFFFF;
	s2 =	simm.s32 @!p0 $0x1C01  }
0x89: {  	[timem:s3], [sflag:s2] =	dma.local @!p0 [hbm:s0], s1  }
0x8a: {  	s0 =	simm.s32 @!p0 $0x1  }
0x8b: {  	_ =	swait.ge @!p0 [sflag:s0], s1  }
0x8c: {  	s1 =	ssub.s32 @!p0 $0x0, s1;
	[sflag:s0] =	ssyncset.done @!p0 $0x0  }
0x8d: {  	[sflag:s0] =	ssyncadd.s32 @!p0 s1  }
0x8e: {  	[bflag:$0x3] =	sbarrier.arrive $0xFFFF  }
0x8f: {  	_ =	shalt  }

// kernel: kernel.9.cloned.1.call-start
scs
__scs_entry_jumppad:
0x0: {  	(pc) =	sbr.rel $0x88, $3  }
0x1: {  	(tag) =	ssettag $0x0;
	lr =	simm.s32 $0x1  }
0x2: {  	[smem:$0x3F9D] =	sst lr;
	_ =	strace $0xD0000000  }
0x3: {  	_ = 	snop  }
0x4: {  	_ = 	snop  }
0x5: {  	_ = 	snop  }
0x6: {  	_ = 	snop  }
0x7: {  	_ = 	snop  }
__scs_overlays_trampoline_lowered:
0x8: {  	[smem:$0x3FAC] =	sst s0  }
0x9: {  	[smem:$0x3FAD] =	sst s1  }
0xa: {  	[smem:$0x3FAE] =	sst s2  }
0xb: {  	[smem:$0x3FAF] =	sst s3  }
0xc: {  	[smem:$0x3FB0] =	sst s4  }
0xd: {  	[smem:$0x3FB1] =	sst s5  }
0xe: {  	[smem:$0x3FB2] =	sst s6  }
0xf: {  	[smem:$0x3FB3] =	sst s7  }
0x10: {  	[smem:$0x3FB4] =	sst s8  }
0x11: {  	[smem:$0x3FB5] =	sst s9;
	s0 =	simm.s32 @!p0 $0x0  }
0x12: {  	s1 =	sld [smem:$0x3F9B];
	s0 =	simm.s32 @p0 $0x1  }
0x13: {  	[smem:$0x3FB6] =	sst s0;
	s0 =	simm.s32 @!p1 $0x0  }
0x14: {  	s2 =	sld [smem:$0x3F9A];
	s0 =	simm.s32 @p1 $0x1  }
0x15: {  	[smem:$0x3FB7] =	sst s0;
	s0 =	simm.s32 @!p2 $0x0  }
0x16: {  	s3 =	sld [smem:$0x3FDB];
	s0 =	simm.s32 @p2 $0x1  }
0x17: {  	s4 =	simm.s32 $0x1BF5;
	[smem:$0x3FB9] =	sst s0  }
0x18: {  	s0 =	sld [smem:$0x3F9C];
	_ =	swait.ge [sflag:s4], $0x0  }
0x19: {  	s7 =	sld [smem:$0x3F9D]  }
0x1a: {  	s8 =	sadd.s32 $0xFFFFE003, lr  }
0x1b: {  	s9 =	sadd.s32 $0xFFFFFEF7, lr;
	s5 =	simm.s32 $0xFFFFFFFF;
	p2 =	slt.u32 s8, $0xFFFFF086  }
0x1c: {  	p1 =	slt.u32 s9, $0xF7A;
	s5 =	simm.s32 @!p2 $0x0  }
0x1d: {  	s5 =	simm.s32 @p1 $0x1;
	p0 =	seq.s32 s7, s2  }
0x1e: {  	s7 =	smul.u32 @!p0 $0xF7A, s2;
	p2 =	seq.s32 @!p0 s5, $0x0  }
0x1f: {  	s9 =	smul.u32 $0xF7A, s1;
	s8 =	simm.s32 @!p0 $0x1BF5;
	p2 =	por !p2, p0  }
0x20: {  	[sflag:s8] =	ssyncset.s32 @!p0 $0xFFFFF086;
	s6 =	sadd.s32 @!p0 s3, s7;
	s7 =	simm.s32 @!p0 $0x108  }
0x21: {  	s3 =	sadd.s32 s3, s9;
	s6 =	sadd.s32 @!p0 $0x88, s6;
	s7 =	simm.s32 @p2 $0x1082  }
0x22: {  	[simem:s7], [sflag:s8] =	dma.local @!p0 [hbm:s6], $0xF7A  }
0x23: {  	s9 =	sor.u32 $0xD0000000, s2;
	s6 =	simm.s32 $0x108;
	_ =	swait.ge @!p0 [sflag:s8], $0x0  }
0x24: {  	s3 =	sadd.s32 $0x88, s3;
	s6 =	simm.s32 @!p1 $0x1082;
	[sflag:s4] =	ssyncset.s32 $0xFFFFF086  }
0x25: {  	[simem:s6], [sflag:s4] =	dma.local [hbm:s3], $0xF7A  }
0x26: {  	[smem:$0x3F9D] =	sst s1;
	(tag) =	ssettag s2;
	_ =	strace s9  }
0x27: {  	s1 =	sld [smem:$0x3FAD]  }
0x28: {  	s2 =	sld [smem:$0x3FAE]  }
0x29: {  	s4 =	sld [smem:$0x3FB0]  }
0x2a: {  	p0 =	seq.s32 s5, $0x0;
	s5 =	sld [smem:$0x3FB1]  }
0x2b: {  	s6 =	sld [smem:$0x3FB2]  }
0x2c: {  	s7 =	sld [smem:$0x3FB3]  }
0x2d: {  	s3 =	simm.s32 $0x108;
	s8 =	sld [smem:$0x3FB4]  }
0x2e: {  	s3 =	simm.s32 @!p0 $0x1082;
	s9 =	sld [smem:$0x3FB5]  }
0x2f: {  	lr =	sadd.s32 s0, s3;
	s0 =	sld [smem:$0x3FAC]  }
0x30: {  	s3 =	sld [smem:$0x3FAF]  }
0x31: {  	[smem:$0x3FB8] =	sst s10  }
0x32: {  	s10 =	sld [smem:$0x3FB6];
	_ =	sdelay $0x3  }
0x33: {  	p0 =	seq.s32 s10, $0x1;
	s10 =	sld [smem:$0x3FB8];
	_ =	sdelay $0x3  }
0x34: {  	[smem:$0x3FB8] =	sst s10  }
0x35: {  	s10 =	sld [smem:$0x3FB7];
	_ =	sdelay $0x3  }
0x36: {  	p1 =	seq.s32 s10, $0x1;
	s10 =	sld [smem:$0x3FB8];
	_ =	sdelay $0x3  }
0x37: {  	[smem:$0x3FB8] =	sst s10  }
0x38: {  	s10 =	sld [smem:$0x3FB9]  }
0x39: {  	_ = 	snop;
	(pc) =	sbr.ind lr, $3  }
0x3a: {  	_ = 	snop  }
0x3b: {  	_ = 	snop  }
0x3c: {  	p2 =	seq.s32 s10, $0x1;
	s10 =	sld [smem:$0x3FB8]  }
0x3d: {  	_ =	shalt  }
0x3e: {  	_ =	shalt  }
0x3f: {  	_ =	shalt  }
0x40: {  	_ =	shalt  }
0x41: {  	_ =	shalt  }
0x42: {  	_ =	shalt  }
0x43: {  	_ =	shalt  }
0x44: {  	_ =	shalt  }
0x45: {  	_ =	shalt  }
0x46: {  	_ =	shalt  }
0x47: {  	_ =	shalt  }
0x48: {  	_ =	shalt  }
0x49: {  	_ =	shalt  }
0x4a: {  	_ =	shalt  }
0x4b: {  	_ =	shalt  }
0x4c: {  	_ =	shalt  }
0x4d: {  	_ =	shalt  }
0x4e: {  	_ =	shalt  }
0x4f: {  	_ =	shalt  }
0x50: {  	_ =	shalt  }
0x51: {  	_ =	shalt  }
0x52: {  	_ =	shalt  }
0x53: {  	_ =	shalt  }
0x54: {  	_ =	shalt  }
0x55: {  	_ =	shalt  }
0x56: {  	_ =	shalt  }
0x57: {  	_ =	shalt  }
0x58: {  	_ =	shalt  }
0x59: {  	_ =	shalt  }
0x5a: {  	_ =	shalt  }
0x5b: {  	_ =	shalt  }
0x5c: {  	_ =	shalt  }
0x5d: {  	_ =	shalt  }
0x5e: {  	_ =	shalt  }
0x5f: {  	_ =	shalt  }
0x60: {  	_ =	shalt  }
0x61: {  	_ =	shalt  }
0x62: {  	_ =	shalt  }
0x63: {  	_ =	shalt  }
0x64: {  	_ =	shalt  }
0x65: {  	_ =	shalt  }
0x66: {  	_ =	shalt  }
0x67: {  	_ =	shalt  }
0x68: {  	_ =	shalt  }
0x69: {  	_ =	shalt  }
0x6a: {  	_ =	shalt  }
0x6b: {  	_ =	shalt  }
0x6c: {  	_ =	shalt  }
0x6d: {  	_ =	shalt  }
0x6e: {  	_ =	shalt  }
0x6f: {  	_ =	shalt  }
0x70: {  	_ =	shalt  }
0x71: {  	_ =	shalt  }
0x72: {  	_ =	shalt  }
0x73: {  	_ =	shalt  }
0x74: {  	_ =	shalt  }
0x75: {  	_ =	shalt  }
0x76: {  	_ =	shalt  }
0x77: {  	_ =	shalt  }
0x78: {  	_ =	shalt  }
0x79: {  	_ =	shalt  }
0x7a: {  	_ =	shalt  }
0x7b: {  	_ =	shalt  }
0x7c: {  	_ =	shalt  }
0x7d: {  	_ =	shalt  }
0x7e: {  	_ =	shalt  }
0x7f: {  	_ =	shalt  }
0x80: {  	_ =	shalt  }
0x81: {  	_ =	shalt  }
0x82: {  	_ =	shalt  }
0x83: {  	_ =	shalt  }
0x84: {  	_ =	shalt  }
0x85: {  	_ =	shalt  }
0x86: {  	_ =	shalt  }
0x87: {  	_ =	shalt  }
.Lfunc_end0:
.L_simem_size_0:
called_computation.1_lowered:
.L_overlay_start_0:
0x88: {  	s2 =	sld [smem:$0x3FD9]  }
0x89: {  	s3 =	sld [smem:$0x3FFE];
	_ =	sdelay $0x1  }
0x8a: {  	s1 =	srdreg.scid  }
0x8b: {  	s0 =	sand.u32 $0x1, s1  }
0x8c: {  	s17 =	sshll.u32 s0, $0xA;
	s2 =	sadd.s32 s3, s2  }
0x8d: {  	s2 =	sadd.s32 s2, s17  }
0x8e: {  	[smem:$0x3FC4] =	sst s2  }
0x8f: {  	_ = 	snop  }
0x90: {  	s2 =	sld [smem:$0x3FD0];
	(tm) =	ssettm $0x1  }
0x91: {  	s18 =	sld [smem:$0x3FFB];
	_ =	sdelay $0x3  }
0x92: {  	_ =	strace s18  }
0x93: {  	s3 =	sld [smem:$0x3FFC];
	_ =	sdelay $0x3  }
0x94: {  	_ =	strace s3  }
0x95: {  	s3 =	sld [smem:$0x3FFD];
	_ =	sdelay $0x3  }
0x96: {  	_ =	strace s3  }
0x97: {  	_ =	strace $0x8FFFFFFF  }
0x98: {  	s19 =	sld [smem:$0x3FDB];
	_ =	sdelay $0x1  }
0x99: {  	s4 =	simm.s32 $_scs_section_size  }
0x9a: {  	s5 =	simm.s32 $_size__tile_overlayer_lowered;
	s6 =	simm.s32 $_tile_overlayer_lowered  }
0x9b: {  	s22 =	simm.s32 $0x1BFF;
	s21 =	sshll.u32 s6, $0x1;
	s3 =	sadd.s32 s4, s19  }
0x9c: {  	s7 =	simm.s32 $0x0;
	s20 =	sshll.u32 s5, $0x1;
	s5 =	sadd.s32 s21, s3  }
0x9d: {  	[timem:s7], [sflag:s22] =	dma.local [hbm:s5], s20  }
0x9e: {  	_ =	swait.ge [sflag:s22], s20  }
0x9f: {  	s4 =	ssub.s32 $0x0, s20;
	[sflag:s22] =	ssyncset.done $0x0  }
0xa0: {  	[sflag:s22] =	ssyncadd.s32 s4;
	_ =	sdelay $0x1  }
0xa1: {  	s23 =	simm.s32 $0x1B8B  }
0xa2: {  	_ =	swait.ge [sflag:s23], $0x1  }
0xa3: {  	[sflag:s23] =	ssyncset.done $0x0  }
0xa4: {  	s25 =	simm.s32 $0x1B8E;
	s24 =	sld [smem:$0x3FFE];
	[sflag:s23] =	ssyncadd.s32 $0xFFFFFFFF  }
0xa5: {  	s26 =	simm.s32 $execute0_lowered;
	[smem:$0x3FD2] =	sst s25  }
0xa6: {  	s5 =	sshll.u32 s26, $0x1;
	_ =	strace $0x80000049;
	[dreg:$0x1] =	wrdreg $0xFFFFFFFF  }
0xa7: {  	s28 =	simm.s32 $_size_execute0_lowered;
	s3 =	sadd.s32 s3, s5;
	[dreg:$0x0] =	wrdreg $0x0  }
0xa8: {  	s5 =	sshll.u32 s28, $0x1;
	[dreg:$0x2] =	wrdreg s3  }
0xa9: {  	[dreg:$0x3] =	wrdreg s5  }
0xaa: {  	[dreg:$0x4] =	wrdreg $0xC0  }
0xab: {  	_ =	task [dreg:s7], $0x5FFFF  }
0xac: {  	[dreg:$0x1] =	wrdreg $0xFFFFFFFF  }
0xad: {  	[dreg:$0x0] =	wrdreg $0x60  }
0xae: {  	[dreg:$0x2] =	wrdreg s2  }
0xaf: {  	[dreg:$0x3] =	wrdreg s24  }
0xb0: {  	[dreg:$0x4] =	wrdreg $0xC0000  }
0xb1: {  	[dreg:$0x5] =	wrdreg $0x9  }
0xb2: {  	_ =	task.clear_ibuf [dreg:s7], $0x6FFFF;
	_ =	strace $0x90000049  }
0xb3: {  	s29 =	simm.s32 $0x9;
	_ =	strace $0x8000004B  }
0xb4: {  	_ =	swait.ge [sflag:s29], $0x1  }
0xb5: {  	[sflag:s29] =	ssyncadd.s32 $0xFFFFFFFF  }
0xb6: {  	_ =	strace $0x9000004B  }
0xb7: {  	_ =	sfence  }
0xb8: {  	s30 =	sld [smem:$0x0];
	_ =	sdelay $0x2  }
0xb9: {  	s31 =	sshll.u32 s1, $0xD;
	s1 =	sshrl.u32 s1, $0x2  }
0xba: {  	s3 =	sand.u32 $0x4000, s31;
	s1 =	sadd.s32 s1, s30  }
0xbb: {  	s0 =	sor.u32 s3, s0;
	s1 =	sshll.u32 s1, $0x11  }
0xbc: {  	s0 =	sor.u32 s1, s0  }
0xbd: {  	s0 =	sadd.s32 $0x8F2B, s0  }
0xbe: {  	[sflag:s0] =	ssyncadd.remote.s32 $0x1  }
0xbf: {  	_ =	sfence.sel $0xFFFF  }
0xc0: {  	[dreg:$0x0] =	wrdreg $0xFFFFFFFF;
	(pc) =	sbr.abs _section_cstart, $3  }
0xc1: {  	[dreg:$0x1] =	wrdreg $0xFFFFFFFF  }
0xc2: {  	_ =	task.clear_ibuf [dreg:s7], $0x2FFFF;
	_ =	strace $0x9FFFFFFF  }
0xc3: {  	(tm) =	ssettm $0x7FFFFFFF  }
tec
execute0_lowered:
.L_overlay_start_1:
0x0: {  	(tag) =	ssettag $0x1  }
0x1: {  	s1 =	rddreg [dreg:$0x0]  }
0x2: {  	s0 =	srdreg.scid;
	s5 =	rddreg [dreg:$0x1]  }
0x3: {  	s9 =	stileid.u32;
	s3 =	rddreg [dreg:$0x2];
	s4 =	simm.s32 $0x0  }
0x4: {  	s20 =	simm.s32 $0x80;
	s22 =	simm.s32 $0x100;
	s24 =	simm.s32 $0xC80  }
0x5: {  	s25 =	simm.s32 $0x180;
	[smem:$0x7FF] =	sst s4;
	s10 =	sadd.s32 $0x2600, s5  }
0x6: {  	s11 =	simm.s32 $0xD80;
	_ =	strace $0x8000004A;
	[dreg:$0x1c] =	wrdreg s10  }
0x7: {  	s12 =	simm.s32 $0x280;
	s13 =	simm.s32 $0xE00;
	[dreg:$0x6] =	wrdreg s20  }
0x8: {  	s14 =	simm.s32 $0x300;
	s15 =	simm.s32 $0xE80;
	[dreg:$0x7] =	wrdreg s22  }
0x9: {  	s16 =	simm.s32 $0x380;
	s17 =	simm.s32 $0xF00;
	[dreg:$0x8] =	wrdreg s24  }
0xa: {  	s18 =	simm.s32 $0x400;
	s28 =	simm.s32 $0x780;
	[dreg:$0x9] =	wrdreg s25  }
0xb: {  	s29 =	simm.s32 $0x1300;
	s6 =	smul.u32 $0x3C00, s9;
	[dreg:$0xc] =	wrdreg s11  }
0xc: {  	s30 =	simm.s32 $0x800;
	s7 =	smul.u32 $0x2800, s9;
	[dreg:$0xd] =	wrdreg s12  }
0xd: {  	s0 =	sand.u32 $0x1, s0;
	s23 =	smul.u32 $0x50000, s9;
	[dreg:$0xe] =	wrdreg s13  }
0xe: {  	s31 =	simm.s32 $0x1380;
	s2 =	smul.u32 $0x3C000, s0;
	[dreg:$0xf] =	wrdreg s14  }
0xf: {  	s8 =	smul.u32 $0x28000, s0;
	s0 =	ssub.s32 $0x2, s0;
	[dreg:$0x10] =	wrdreg s15  }
0x10: {  	s10 =	sshll.u32 s9, $0x6;
	s11 =	simm.s32 $0xC00;
	[dreg:$0x11] =	wrdreg s16  }
0x11: {  	s12 =	simm.s32 $0x70;
	[dreg:$0x12] =	wrdreg s17;
	s13 =	simm.s32 $0x1800  }
0x12: {  	[dreg:$0x13] =	wrdreg s18;
	s14 =	simm.s32 $0x5000;
	s20 =	simm.s32 $0x480  }
0x13: {  	s15 =	simm.s32 $0x1;
	s16 =	simm.s32 $0x8800;
	s22 =	simm.s32 $0x500  }
0x14: {  	s17 =	simm.s32 $0x2;
	s18 =	simm.s32 $0x4;
	s24 =	simm.s32 $0x580  }
0x15: {  	s25 =	simm.s32 $0x1100;
	s9 =	simm.s32 $0x0;
	[dreg:$0x15] =	wrdreg s20  }
0x16: {  	s21 =	sshrl.u32 s0, $0x1;
	s26 =	sshrl.u32 s23, $0x2;
	[dreg:$0x17] =	wrdreg s22  }
0x17: {  	s23 =	simm.s32 $0x1080;
	[dreg:$0x19] =	wrdreg s24;
	s20 =	simm.s32 $0x5  }
0x18: {  	[dreg:$0x1a] =	wrdreg s25;
	s22 =	simm.s32 $0x1180;
	s24 =	simm.s32 $0x1200  }
0x19: {  	s25 =	simm.s32 $0x700;
	s2 =	sadd.s32 s6, s2;
	s7 =	sadd.s32 s7, s8  }
0x1a: {  	s0 =	ssub.s32 s0, s21;
	s8 =	simm.s32 $0x200;
	s21 =	simm.s32 $0x1000  }
0x1b: {  	[dreg:$0x18] =	wrdreg s23;
	s23 =	simm.s32 $0x680;
	s6 =	sadd.s32 $0x78000, s2  }
0x1c: {  	s2 =	sshrl.u32 s2, $0x3;
	[dreg:$0xb] =	wrdreg s8;
	s0 =	smax.u32 s0, $0x1  }
0x1d: {  	[dreg:$0x16] =	wrdreg s21;
	s6 =	sshrl.u32 s6, $0x3;
	s2 =	sadd.s32 s2, s5  }
0x1e: {  	[dreg:$0x1f] =	wrdreg s0;
	s6 =	sadd.s32 s6, s5;
	s2 =	sadd.s32 $0x2D000, s2  }
0x1f: {  	s5 =	sadd.s32 s7, s5;
	s7 =	simm.s32 $0xD00;
	[dreg:$0x4] =	wrdreg s2  }
0x20: {  	s21 =	simm.s32 $0x6;
	s19 =	sadd.s32 $0xF000, s6;
	[dreg:$0xa] =	wrdreg s7  }
0x21: {  	s0 =	simm.s32 $0x1400;
	s5 =	sadd.s32 $0x3C000, s5;
	[dreg:$0x5] =	wrdreg s19  }
0x22: {  	s6 =	sadd.s32 s26, s3;
	s26 =	simm.s32 $0x600;
	[dreg:$0x1e] =	wrdreg s5  }
0x23: {  	s7 =	sor.u32 $0x1C07, s10;
	s10 =	simm.s32 $0x7;
	[dreg:$0x1b] =	wrdreg s26  }
0x24: {  	s2 =	simm.s32 $0x880;
	s19 =	simm.s32 $0xF80;
	[dreg:$0x1d] =	wrdreg s7  }
0x25: {  	s8 =	sshrl.u32 s6, $0x3;
	s26 =	simm.s32 $0x1280;
	[dreg:$0x14] =	wrdreg s19  }
0x26: {  	s5 =	simm.s32 $0x1480;
	s19 =	simm.s32 $0x3;
	[smem:$0x7FD] =	sst s8  }
.LBB2_1:
0x27: {  	[smem:$0x7FC] =	sst s9  }
0x28: {  	s6 =	rddreg [dreg:$0x1c]  }
0x29: {  	[spmem:s8], [sflag:s7] =	dma.local [hbm:s6], $0x2800  }
0x2a: {  	_ =	swait.ge [sflag:s10], $0x2800  }
0x2b: {  	[sflag:s10] =	ssyncset.done $0x0  }
0x2c: {  	[sflag:s10] =	ssyncadd.s32 $0xFFFFD800  }
0x2d: {  	[bflag:$0x0] =	sbarrier.arrive $0xFFFF  }
0x2e: {  	s7 =	rddreg [dreg:$0x5]  }
0x2f: {  	s6 =	sadd.s32 $0x0, s7  }
0x30: {  	[tilespmem:s4], [sflag:$0x7] =	stream.linear.gather [hbm4b:s6+s4], $0x900, $0x38;
	v63 =	vld [tilespmem:$0x0]  }
0x31: {  	_ =	swait.ge [sflag:s10], $0x900  }
0x32: {  	s8 =	rddreg [dreg:$0x4];
	[sflag:s10] =	ssyncset.done $0x0  }
0x33: {  	[sflag:s10] =	ssyncadd.s32 $0xFFFFF700;
	s6 =	sadd.s32 $0x0, s8  }
0x34: {  	[tilespmem:s11], [sflag:$0x7] =	stream.linear.gather [hbm4b:s6+s4], $0x900, $0x38;
	v63 =	vld [tilespmem:$0x0]  }
0x35: {  	_ =	swait.ge [sflag:s10], $0x900  }
0x36: {  	[sflag:s10] =	ssyncset.done $0x0  }
0x37: {  	[sflag:s10] =	ssyncadd.s32 $0xFFFFF700  }
0x38: {  	[tilespmem:s13], [sflag:$0x1] =	stream.indirect.gather [hbm4b:s1+s12], $0x80, s4, s12, $0xb8;
	v63 =	vld [tilespmem:$0x0]  }
0x39: {  	s9 =	rddreg [dreg:$0x6]  }
0x3a: {  	[tilespmem:s14], [sflag:$0x2] =	stream.indirect.gather [hbm4b:s1+s12], $0x80, s9, s12, $0xb8;
	v63 =	vld [tilespmem:$0x0]  }
0x3b: {  	_ =	swait.ge [sflag:s15], $0x3800  }
0x3c: {  	[sflag:s15] =	ssyncset.done $0x0  }
0x3d: {  	[sflag:s15] =	ssyncadd.s32 $0xFFFFC800  }
0x3e: {  	[spmem:s3] =	stream.indirect.scatter.add.f32 [tilespmem:s13], [sflag:$0x4], $0x80, s11, s12, $0xb8;
	v63 =	vld [tilespmem:$0x0]  }
0x3f: {  	s7 =	rddreg [dreg:$0x7]  }
0x40: {  	[tilespmem:s16], [sflag:$0x3] =	stream.indirect.gather [hbm4b:s1+s12], $0x80, s7, s12, $0xb8;
	v63 =	vld [tilespmem:$0x0]  }
0x41: {  	_ =	swait.ge [sflag:s17], $0x3800  }
0x42: {  	[sflag:s17] =	ssyncset.done $0x0  }
0x43: {  	s8 =	rddreg [dreg:$0x8];
	[sflag:s17] =	ssyncadd.s32 $0xFFFFC800  }
0x44: {  	[spmem:s3] =	stream.indirect.scatter.add.f32 [tilespmem:s14], [sflag:$0x5], $0x80, s8, s12, $0xb8;
	v63 =	vld [tilespmem:$0x0]  }
0x45: {  	_ =	swait.ge [sflag:s18], $0x3800  }
0x46: {  	[sflag:s18] =	ssyncset.done $0x0  }
0x47: {  	s9 =	rddreg [dreg:$0x9];
	[sflag:s18] =	ssyncadd.s32 $0xFFFFC800  }
0x48: {  	[tilespmem:s13], [sflag:$0x1] =	stream.indirect.gather [hbm4b:s1+s12], $0x80, s9, s12, $0xb8;
	v63 =	vld [tilespmem:$0x0]  }
0x49: {  	_ =	swait.ge [sflag:s19], $0x3800  }
0x4a: {  	[sflag:s19] =	ssyncset.done $0x0  }
0x4b: {  	s7 =	rddreg [dreg:$0xa];
	[sflag:s19] =	ssyncadd.s32 $0xFFFFC800  }
0x4c: {  	[spmem:s3] =	stream.indirect.scatter.add.f32 [tilespmem:s16], [sflag:$0x6], $0x80, s7, s12, $0xb8;
	v63 =	vld [tilespmem:$0x0]  }
0x4d: {  	_ =	swait.ge [sflag:s20], $0x3800  }
0x4e: {  	[sflag:s20] =	ssyncset.done $0x0  }
0x4f: {  	s8 =	rddreg [dreg:$0xb];
	[sflag:s20] =	ssyncadd.s32 $0xFFFFC800  }
0x50: {  	[tilespmem:s14], [sflag:$0x2] =	stream.indirect.gather [hbm4b:s1+s12], $0x80, s8, s12, $0xb8;
	v63 =	vld [tilespmem:$0x0]  }
0x51: {  	_ =	swait.ge [sflag:s15], $0x3800  }
0x52: {  	[sflag:s15] =	ssyncset.done $0x0  }
0x53: {  	s9 =	rddreg [dreg:$0xc];
	[sflag:s15] =	ssyncadd.s32 $0xFFFFC800  }
0x54: {  	[spmem:s3] =	stream.indirect.scatter.add.f32 [tilespmem:s13], [sflag:$0x4], $0x80, s9, s12, $0xb8;
	v63 =	vld [tilespmem:$0x0]  }
0x55: {  	_ =	swait.ge [sflag:s21], $0x3800  }
0x56: {  	[sflag:s21] =	ssyncset.done $0x0  }
0x57: {  	s7 =	rddreg [dreg:$0xd];
	[sflag:s21] =	ssyncadd.s32 $0xFFFFC800  }
0x58: {  	[tilespmem:s16], [sflag:$0x3] =	stream.indirect.gather [hbm4b:s1+s12], $0x80, s7, s12, $0xb8;
	v63 =	vld [tilespmem:$0x0]  }
0x59: {  	_ =	swait.ge [sflag:s17], $0x3800  }
0x5a: {  	[sflag:s17] =	ssyncset.done $0x0  }
0x5b: {  	s8 =	rddreg [dreg:$0xe];
	[sflag:s17] =	ssyncadd.s32 $0xFFFFC800  }
0x5c: {  	[spmem:s3] =	stream.indirect.scatter.add.f32 [tilespmem:s14], [sflag:$0x5], $0x80, s8, s12, $0xb8;
	v63 =	vld [tilespmem:$0x0]  }
0x5d: {  	_ =	swait.ge [sflag:s18], $0x3800  }
0x5e: {  	[sflag:s18] =	ssyncset.done $0x0  }
0x5f: {  	s9 =	rddreg [dreg:$0xf];
	[sflag:s18] =	ssyncadd.s32 $0xFFFFC800  }
0x60: {  	[tilespmem:s13], [sflag:$0x1] =	stream.indirect.gather [hbm4b:s1+s12], $0x80, s9, s12, $0xb8;
	v63 =	vld [tilespmem:$0x0]  }
0x61: {  	_ =	swait.ge [sflag:s19], $0x3800  }
0x62: {  	[sflag:s19] =	ssyncset.done $0x0  }
0x63: {  	s7 =	rddreg [dreg:$0x10];
	[sflag:s19] =	ssyncadd.s32 $0xFFFFC800  }
0x64: {  	[spmem:s3] =	stream.indirect.scatter.add.f32 [tilespmem:s16], [sflag:$0x6], $0x80, s7, s12, $0xb8;
	v63 =	vld [tilespmem:$0x0]  }
0x65: {  	_ =	swait.ge [sflag:s20], $0x3800  }
0x66: {  	[sflag:s20] =	ssyncset.done $0x0  }
0x67: {  	s8 =	rddreg [dreg:$0x11];
	[sflag:s20] =	ssyncadd.s32 $0xFFFFC800  }
0x68: {  	[tilespmem:s14], [sflag:$0x2] =	stream.indirect.gather [hbm4b:s1+s12], $0x80, s8, s12, $0xb8;
	v63 =	vld [tilespmem:$0x0]  }
0x69: {  	_ =	swait.ge [sflag:s15], $0x3800  }
0x6a: {  	[sflag:s15] =	ssyncset.done $0x0  }
0x6b: {  	s9 =	rddreg [dreg:$0x12];
	[sflag:s15] =	ssyncadd.s32 $0xFFFFC800  }
0x6c: {  	[spmem:s3] =	stream.indirect.scatter.add.f32 [tilespmem:s13], [sflag:$0x4], $0x80, s9, s12, $0xb8;
	v63 =	vld [tilespmem:$0x0]  }
0x6d: {  	_ =	swait.ge [sflag:s21], $0x3800  }
0x6e: {  	[sflag:s21] =	ssyncset.done $0x0  }
0x6f: {  	s7 =	rddreg [dreg:$0x13];
	[sflag:s21] =	ssyncadd.s32 $0xFFFFC800  }
0x70: {  	[tilespmem:s16], [sflag:$0x3] =	stream.indirect.gather [hbm4b:s1+s12], $0x80, s7, s12, $0xb8;
	v63 =	vld [tilespmem:$0x0]  }
0x71: {  	_ =	swait.ge [sflag:s17], $0x3800  }
0x72: {  	[sflag:s17] =	ssyncset.done $0x0  }
0x73: {  	s8 =	rddreg [dreg:$0x14];
	[sflag:s17] =	ssyncadd.s32 $0xFFFFC800  }
0x74: {  	[spmem:s3] =	stream.indirect.scatter.add.f32 [tilespmem:s14], [sflag:$0x5], $0x80, s8, s12, $0xb8;
	v63 =	vld [tilespmem:$0x0]  }
0x75: {  	_ =	swait.ge [sflag:s18], $0x3800  }
0x76: {  	[sflag:s18] =	ssyncset.done $0x0  }
0x77: {  	s9 =	rddreg [dreg:$0x15];
	[sflag:s18] =	ssyncadd.s32 $0xFFFFC800  }
0x78: {  	[tilespmem:s13], [sflag:$0x1] =	stream.indirect.gather [hbm4b:s1+s12], $0x80, s9, s12, $0xb8;
	v63 =	vld [tilespmem:$0x0]  }
0x79: {  	_ =	swait.ge [sflag:s19], $0x3800  }
0x7a: {  	[sflag:s19] =	ssyncset.done $0x0  }
0x7b: {  	s7 =	rddreg [dreg:$0x16];
	[sflag:s19] =	ssyncadd.s32 $0xFFFFC800  }
0x7c: {  	[spmem:s3] =	stream.indirect.scatter.add.f32 [tilespmem:s16], [sflag:$0x6], $0x80, s7, s12, $0xb8;
	v63 =	vld [tilespmem:$0x0]  }
0x7d: {  	_ =	swait.ge [sflag:s20], $0x3800  }
0x7e: {  	[sflag:s20] =	ssyncset.done $0x0  }
0x7f: {  	s8 =	rddreg [dreg:$0x17];
	[sflag:s20] =	ssyncadd.s32 $0xFFFFC800  }
0x80: {  	[tilespmem:s14], [sflag:$0x2] =	stream.indirect.gather [hbm4b:s1+s12], $0x80, s8, s12, $0xb8;
	v63 =	vld [tilespmem:$0x0]  }
0x81: {  	_ =	swait.ge [sflag:s15], $0x3800  }
0x82: {  	[sflag:s15] =	ssyncset.done $0x0  }
0x83: {  	s9 =	rddreg [dreg:$0x18];
	[sflag:s15] =	ssyncadd.s32 $0xFFFFC800  }
0x84: {  	[spmem:s3] =	stream.indirect.scatter.add.f32 [tilespmem:s13], [sflag:$0x4], $0x80, s9, s12, $0xb8;
	v63 =	vld [tilespmem:$0x0]  }
0x85: {  	_ =	swait.ge [sflag:s21], $0x3800  }
0x86: {  	[sflag:s21] =	ssyncset.done $0x0  }
0x87: {  	s7 =	rddreg [dreg:$0x19];
	[sflag:s21] =	ssyncadd.s32 $0xFFFFC800  }
0x88: {  	[tilespmem:s16], [sflag:$0x3] =	stream.indirect.gather [hbm4b:s1+s12], $0x80, s7, s12, $0xb8;
	v63 =	vld [tilespmem:$0x0]  }
0x89: {  	_ =	swait.ge [sflag:s17], $0x3800  }
0x8a: {  	[sflag:s17] =	ssyncset.done $0x0  }
0x8b: {  	s8 =	rddreg [dreg:$0x1a];
	[sflag:s17] =	ssyncadd.s32 $0xFFFFC800  }
0x8c: {  	[spmem:s3] =	stream.indirect.scatter.add.f32 [tilespmem:s14], [sflag:$0x5], $0x80, s8, s12, $0xb8;
	v63 =	vld [tilespmem:$0x0]  }
0x8d: {  	_ =	swait.ge [sflag:s18], $0x3800  }
0x8e: {  	[sflag:s18] =	ssyncset.done $0x0  }
0x8f: {  	s9 =	rddreg [dreg:$0x1b];
	[sflag:s18] =	ssyncadd.s32 $0xFFFFC800  }
0x90: {  	[tilespmem:s13], [sflag:$0x1] =	stream.indirect.gather [hbm4b:s1+s12], $0x80, s9, s12, $0xb8;
	v63 =	vld [tilespmem:$0x0]  }
0x91: {  	_ =	swait.ge [sflag:s19], $0x3800  }
0x92: {  	[sflag:s19] =	ssyncset.done $0x0  }
0x93: {  	[sflag:s19] =	ssyncadd.s32 $0xFFFFC800  }
0x94: {  	[spmem:s3] =	stream.indirect.scatter.add.f32 [tilespmem:s16], [sflag:$0x6], $0x80, s22, s12, $0xb8;
	v63 =	vld [tilespmem:$0x0]  }
0x95: {  	_ =	swait.ge [sflag:s20], $0x3800  }
0x96: {  	[sflag:s20] =	ssyncset.done $0x0  }
0x97: {  	[sflag:s20] =	ssyncadd.s32 $0xFFFFC800  }
0x98: {  	[tilespmem:s14], [sflag:$0x2] =	stream.indirect.gather [hbm4b:s1+s12], $0x80, s23, s12, $0xb8;
	v63 =	vld [tilespmem:$0x0]  }
0x99: {  	_ =	swait.ge [sflag:s15], $0x3800  }
0x9a: {  	[sflag:s15] =	ssyncset.done $0x0  }
0x9b: {  	[sflag:s15] =	ssyncadd.s32 $0xFFFFC800  }
0x9c: {  	[spmem:s3] =	stream.indirect.scatter.add.f32 [tilespmem:s13], [sflag:$0x4], $0x80, s24, s12, $0xb8;
	v63 =	vld [tilespmem:$0x0]  }
0x9d: {  	_ =	swait.ge [sflag:s21], $0x3800  }
0x9e: {  	[sflag:s21] =	ssyncset.done $0x0  }
0x9f: {  	[sflag:s21] =	ssyncadd.s32 $0xFFFFC800  }
0xa0: {  	[tilespmem:s16], [sflag:$0x3] =	stream.indirect.gather [hbm4b:s1+s12], $0x80, s25, s12, $0xb8;
	v63 =	vld [tilespmem:$0x0]  }
0xa1: {  	_ =	swait.ge [sflag:s17], $0x3800  }
0xa2: {  	[sflag:s17] =	ssyncset.done $0x0  }
0xa3: {  	[sflag:s17] =	ssyncadd.s32 $0xFFFFC800  }
0xa4: {  	[spmem:s3] =	stream.indirect.scatter.add.f32 [tilespmem:s14], [sflag:$0x5], $0x80, s26, s12, $0xb8;
	v63 =	vld [tilespmem:$0x0]  }
0xa5: {  	_ =	swait.ge [sflag:s18], $0x3800  }
0xa6: {  	[sflag:s18] =	ssyncset.done $0x0  }
0xa7: {  	[sflag:s18] =	ssyncadd.s32 $0xFFFFC800  }
0xa8: {  	[tilespmem:s13], [sflag:$0x1] =	stream.indirect.gather [hbm4b:s1+s12], $0x80, s28, s12, $0xb8;
	v63 =	vld [tilespmem:$0x0]  }
0xa9: {  	_ =	swait.ge [sflag:s19], $0x3800  }
0xaa: {  	[sflag:s19] =	ssyncset.done $0x0  }
0xab: {  	[sflag:s19] =	ssyncadd.s32 $0xFFFFC800  }
0xac: {  	[spmem:s3] =	stream.indirect.scatter.add.f32 [tilespmem:s16], [sflag:$0x6], $0x80, s29, s12, $0xb8;
	v63 =	vld [tilespmem:$0x0]  }
0xad: {  	_ =	swait.ge [sflag:s20], $0x3800  }
0xae: {  	[sflag:s20] =	ssyncset.done $0x0  }
0xaf: {  	[sflag:s20] =	ssyncadd.s32 $0xFFFFC800  }
0xb0: {  	[tilespmem:s14], [sflag:$0x2] =	stream.indirect.gather [hbm4b:s1+s12], $0x80, s30, s12, $0xb8;
	v63 =	vld [tilespmem:$0x0]  }
0xb1: {  	_ =	swait.ge [sflag:s15], $0x3800  }
0xb2: {  	[sflag:s15] =	ssyncset.done $0x0  }
0xb3: {  	[sflag:s15] =	ssyncadd.s32 $0xFFFFC800  }
0xb4: {  	[spmem:s3] =	stream.indirect.scatter.add.f32 [tilespmem:s13], [sflag:$0x4], $0x80, s31, s12, $0xb8;
	v63 =	vld [tilespmem:$0x0]  }
0xb5: {  	_ =	swait.ge [sflag:s21], $0x3800  }
0xb6: {  	[sflag:s21] =	ssyncset.done $0x0  }
0xb7: {  	[sflag:s21] =	ssyncadd.s32 $0xFFFFC800  }
0xb8: {  	[tilespmem:s16], [sflag:$0x3] =	stream.indirect.gather [hbm4b:s1+s12], $0x80, s2, s12, $0xb8;
	v63 =	vld [tilespmem:$0x0]  }
0xb9: {  	_ =	swait.ge [sflag:s17], $0x3800  }
0xba: {  	[sflag:s17] =	ssyncset.done $0x0  }
0xbb: {  	[sflag:s17] =	ssyncadd.s32 $0xFFFFC800  }
0xbc: {  	[spmem:s3] =	stream.indirect.scatter.add.f32 [tilespmem:s14], [sflag:$0x5], $0x80, s0, s12, $0xb8;
	v63 =	vld [tilespmem:$0x0]  }
0xbd: {  	_ =	swait.ge [sflag:s18], $0x3800  }
0xbe: {  	[sflag:s18] =	ssyncset.done $0x0  }
0xbf: {  	[sflag:s18] =	ssyncadd.s32 $0xFFFFC800  }
0xc0: {  	_ =	swait.ge [sflag:s19], $0x3800  }
0xc1: {  	[sflag:s19] =	ssyncset.done $0x0  }
0xc2: {  	[sflag:s19] =	ssyncadd.s32 $0xFFFFC800  }
0xc3: {  	[spmem:s3] =	stream.indirect.scatter.add.f32 [tilespmem:s16], [sflag:$0x6], $0x80, s5, s12, $0xb8;
	v63 =	vld [tilespmem:$0x0]  }
0xc4: {  	_ =	swait.ge [sflag:s20], $0x3800  }
0xc5: {  	[sflag:s20] =	ssyncset.done $0x0  }
0xc6: {  	[sflag:s20] =	ssyncadd.s32 $0xFFFFC800  }
0xc7: {  	s6 =	simm.s32 $0x300;
	_ =	swait.ge [sflag:s21], $0x3800  }
0xc8: {  	s8 =	simm.s32 $0x180;
	s9 =	rddreg [dreg:$0x5];
	[sflag:s21] =	ssyncset.done $0x0  }
.LBB2_2:
0xc9: {  	[sflag:s21] =	ssyncadd.s32 $0xFFFFC800;
	s9 =	sadd.s32 s8, s9  }
0xca: {  	[tilespmem:s4], [sflag:$0x7] =	stream.linear.gather [hbm4b:s9+s4], $0x900, $0x38;
	v63 =	vld [tilespmem:$0x0]  }
0xcb: {  	_ =	swait.ge [sflag:s10], $0x900  }
0xcc: {  	s9 =	rddreg [dreg:$0x4];
	[sflag:s10] =	ssyncset.done $0x0  }
0xcd: {  	[sflag:s10] =	ssyncadd.s32 $0xFFFFF700;
	s9 =	sadd.s32 s8, s9  }
0xce: {  	[tilespmem:s11], [sflag:$0x7] =	stream.linear.gather [hbm4b:s9+s4], $0x900, $0x38;
	v63 =	vld [tilespmem:$0x0]  }
0xcf: {  	_ =	swait.ge [sflag:s10], $0x900  }
0xd0: {  	[sflag:s10] =	ssyncset.done $0x0  }
0xd1: {  	[sflag:s10] =	ssyncadd.s32 $0xFFFFF700  }
0xd2: {  	[tilespmem:s13], [sflag:$0x1] =	stream.indirect.gather [hbm4b:s1+s12], $0x80, s4, s12, $0xb8;
	v63 =	vld [tilespmem:$0x0]  }
0xd3: {  	s9 =	rddreg [dreg:$0x6]  }
0xd4: {  	[tilespmem:s14], [sflag:$0x2] =	stream.indirect.gather [hbm4b:s1+s12], $0x80, s9, s12, $0xb8;
	v63 =	vld [tilespmem:$0x0]  }
0xd5: {  	_ =	swait.ge [sflag:s15], $0x3800  }
0xd6: {  	[sflag:s15] =	ssyncset.done $0x0  }
0xd7: {  	[sflag:s15] =	ssyncadd.s32 $0xFFFFC800  }
0xd8: {  	[spmem:s3] =	stream.indirect.scatter.add.f32 [tilespmem:s13], [sflag:$0x4], $0x80, s11, s12, $0xb8;
	v63 =	vld [tilespmem:$0x0]  }
0xd9: {  	s9 =	rddreg [dreg:$0x7]  }
0xda: {  	[tilespmem:s16], [sflag:$0x3] =	stream.indirect.gather [hbm4b:s1+s12], $0x80, s9, s12, $0xb8;
	v63 =	vld [tilespmem:$0x0]  }
0xdb: {  	_ =	swait.ge [sflag:s17], $0x3800  }
0xdc: {  	[sflag:s17] =	ssyncset.done $0x0  }
0xdd: {  	s9 =	rddreg [dreg:$0x8];
	[sflag:s17] =	ssyncadd.s32 $0xFFFFC800  }
0xde: {  	[spmem:s3] =	stream.indirect.scatter.add.f32 [tilespmem:s14], [sflag:$0x5], $0x80, s9, s12, $0xb8;
	v63 =	vld [tilespmem:$0x0]  }
0xdf: {  	_ =	swait.ge [sflag:s18], $0x3800  }
0xe0: {  	[sflag:s18] =	ssyncset.done $0x0  }
0xe1: {  	s9 =	rddreg [dreg:$0x9];
	[sflag:s18] =	ssyncadd.s32 $0xFFFFC800  }
0xe2: {  	[tilespmem:s13], [sflag:$0x1] =	stream.indirect.gather [hbm4b:s1+s12], $0x80, s9, s12, $0xb8;
	v63 =	vld [tilespmem:$0x0]  }
0xe3: {  	_ =	swait.ge [sflag:s19], $0x3800  }
0xe4: {  	[sflag:s19] =	ssyncset.done $0x0  }
0xe5: {  	s9 =	rddreg [dreg:$0xa];
	[sflag:s19] =	ssyncadd.s32 $0xFFFFC800  }
0xe6: {  	[spmem:s3] =	stream.indirect.scatter.add.f32 [tilespmem:s16], [sflag:$0x6], $0x80, s9, s12, $0xb8;
	v63 =	vld [tilespmem:$0x0]  }
0xe7: {  	_ =	swait.ge [sflag:s20], $0x3800  }
0xe8: {  	[sflag:s20] =	ssyncset.done $0x0  }
0xe9: {  	s9 =	rddreg [dreg:$0xb];
	[sflag:s20] =	ssyncadd.s32 $0xFFFFC800  }
0xea: {  	[tilespmem:s14], [sflag:$0x2] =	stream.indirect.gather [hbm4b:s1+s12], $0x80, s9, s12, $0xb8;
	v63 =	vld [tilespmem:$0x0]  }
0xeb: {  	_ =	swait.ge [sflag:s15], $0x3800  }
0xec: {  	[sflag:s15] =	ssyncset.done $0x0  }
0xed: {  	s9 =	rddreg [dreg:$0xc];
	[sflag:s15] =	ssyncadd.s32 $0xFFFFC800  }
0xee: {  	[spmem:s3] =	stream.indirect.scatter.add.f32 [tilespmem:s13], [sflag:$0x4], $0x80, s9, s12, $0xb8;
	v63 =	vld [tilespmem:$0x0]  }
0xef: {  	_ =	swait.ge [sflag:s21], $0x3800  }
0xf0: {  	[sflag:s21] =	ssyncset.done $0x0  }
0xf1: {  	s9 =	rddreg [dreg:$0xd];
	[sflag:s21] =	ssyncadd.s32 $0xFFFFC800  }
0xf2: {  	[tilespmem:s16], [sflag:$0x3] =	stream.indirect.gather [hbm4b:s1+s12], $0x80, s9, s12, $0xb8;
	v63 =	vld [tilespmem:$0x0]  }
0xf3: {  	_ =	swait.ge [sflag:s17], $0x3800  }
0xf4: {  	[sflag:s17] =	ssyncset.done $0x0  }
0xf5: {  	s9 =	rddreg [dreg:$0xe];
	[sflag:s17] =	ssyncadd.s32 $0xFFFFC800  }
0xf6: {  	[spmem:s3] =	stream.indirect.scatter.add.f32 [tilespmem:s14], [sflag:$0x5], $0x80, s9, s12, $0xb8;
	v63 =	vld [tilespmem:$0x0]  }
0xf7: {  	_ =	swait.ge [sflag:s18], $0x3800  }
0xf8: {  	[sflag:s18] =	ssyncset.done $0x0  }
0xf9: {  	s9 =	rddreg [dreg:$0xf];
	[sflag:s18] =	ssyncadd.s32 $0xFFFFC800  }
0xfa: {  	[tilespmem:s13], [sflag:$0x1] =	stream.indirect.gather [hbm4b:s1+s12], $0x80, s9, s12, $0xb8;
	v63 =	vld [tilespmem:$0x0]  }
0xfb: {  	_ =	swait.ge [sflag:s19], $0x3800  }
0xfc: {  	[sflag:s19] =	ssyncset.done $0x0  }
0xfd: {  	s9 =	rddreg [dreg:$0x10];
	[sflag:s19] =	ssyncadd.s32 $0xFFFFC800  }
0xfe: {  	[spmem:s3] =	stream.indirect.scatter.add.f32 [tilespmem:s16], [sflag:$0x6], $0x80, s9, s12, $0xb8;
	v63 =	vld [tilespmem:$0x0]  }
0xff: {  	_ =	swait.ge [sflag:s20], $0x3800  }
0x100: {  	[sflag:s20] =	ssyncset.done $0x0  }
0x101: {  	s9 =	rddreg [dreg:$0x11];
	[sflag:s20] =	ssyncadd.s32 $0xFFFFC800  }
0x102: {  	[tilespmem:s14], [sflag:$0x2] =	stream.indirect.gather [hbm4b:s1+s12], $0x80, s9, s12, $0xb8;
	v63 =	vld [tilespmem:$0x0]  }
0x103: {  	_ =	swait.ge [sflag:s15], $0x3800  }
0x104: {  	[sflag:s15] =	ssyncset.done $0x0  }
0x105: {  	s9 =	rddreg [dreg:$0x12];
	[sflag:s15] =	ssyncadd.s32 $0xFFFFC800  }
0x106: {  	[spmem:s3] =	stream.indirect.scatter.add.f32 [tilespmem:s13], [sflag:$0x4], $0x80, s9, s12, $0xb8;
	v63 =	vld [tilespmem:$0x0]  }
0x107: {  	_ =	swait.ge [sflag:s21], $0x3800  }
0x108: {  	[sflag:s21] =	ssyncset.done $0x0  }
0x109: {  	s9 =	rddreg [dreg:$0x13];
	[sflag:s21] =	ssyncadd.s32 $0xFFFFC800  }
0x10a: {  	[tilespmem:s16], [sflag:$0x3] =	stream.indirect.gather [hbm4b:s1+s12], $0x80, s9, s12, $0xb8;
	v63 =	vld [tilespmem:$0x0]  }
0x10b: {  	_ =	swait.ge [sflag:s17], $0x3800  }
0x10c: {  	[sflag:s17] =	ssyncset.done $0x0  }
0x10d: {  	s9 =	rddreg [dreg:$0x14];
	[sflag:s17] =	ssyncadd.s32 $0xFFFFC800  }
0x10e: {  	[spmem:s3] =	stream.indirect.scatter.add.f32 [tilespmem:s14], [sflag:$0x5], $0x80, s9, s12, $0xb8;
	v63 =	vld [tilespmem:$0x0]  }
0x10f: {  	_ =	swait.ge [sflag:s18], $0x3800  }
0x110: {  	[sflag:s18] =	ssyncset.done $0x0  }
0x111: {  	s9 =	rddreg [dreg:$0x15];
	[sflag:s18] =	ssyncadd.s32 $0xFFFFC800  }
0x112: {  	[tilespmem:s13], [sflag:$0x1] =	stream.indirect.gather [hbm4b:s1+s12], $0x80, s9, s12, $0xb8;
	v63 =	vld [tilespmem:$0x0]  }
0x113: {  	_ =	swait.ge [sflag:s19], $0x3800  }
0x114: {  	[sflag:s19] =	ssyncset.done $0x0  }
0x115: {  	s9 =	rddreg [dreg:$0x16];
	[sflag:s19] =	ssyncadd.s32 $0xFFFFC800  }
0x116: {  	[spmem:s3] =	stream.indirect.scatter.add.f32 [tilespmem:s16], [sflag:$0x6], $0x80, s9, s12, $0xb8;
	v63 =	vld [tilespmem:$0x0]  }
0x117: {  	_ =	swait.ge [sflag:s20], $0x3800  }
0x118: {  	[sflag:s20] =	ssyncset.done $0x0  }
0x119: {  	s9 =	rddreg [dreg:$0x17];
	[sflag:s20] =	ssyncadd.s32 $0xFFFFC800  }
0x11a: {  	[tilespmem:s14], [sflag:$0x2] =	stream.indirect.gather [hbm4b:s1+s12], $0x80, s9, s12, $0xb8;
	v63 =	vld [tilespmem:$0x0]  }
0x11b: {  	_ =	swait.ge [sflag:s15], $0x3800  }
0x11c: {  	[sflag:s15] =	ssyncset.done $0x0  }
0x11d: {  	s9 =	rddreg [dreg:$0x18];
	[sflag:s15] =	ssyncadd.s32 $0xFFFFC800  }
0x11e: {  	[spmem:s3] =	stream.indirect.scatter.add.f32 [tilespmem:s13], [sflag:$0x4], $0x80, s9, s12, $0xb8;
	v63 =	vld [tilespmem:$0x0]  }
0x11f: {  	_ =	swait.ge [sflag:s21], $0x3800  }
0x120: {  	[sflag:s21] =	ssyncset.done $0x0  }
0x121: {  	s9 =	rddreg [dreg:$0x19];
	[sflag:s21] =	ssyncadd.s32 $0xFFFFC800  }
0x122: {  	[tilespmem:s16], [sflag:$0x3] =	stream.indirect.gather [hbm4b:s1+s12], $0x80, s9, s12, $0xb8;
	v63 =	vld [tilespmem:$0x0]  }
0x123: {  	_ =	swait.ge [sflag:s17], $0x3800  }
0x124: {  	[sflag:s17] =	ssyncset.done $0x0  }
0x125: {  	s9 =	rddreg [dreg:$0x1a];
	[sflag:s17] =	ssyncadd.s32 $0xFFFFC800  }
0x126: {  	[spmem:s3] =	stream.indirect.scatter.add.f32 [tilespmem:s14], [sflag:$0x5], $0x80, s9, s12, $0xb8;
	v63 =	vld [tilespmem:$0x0]  }
0x127: {  	_ =	swait.ge [sflag:s18], $0x3800  }
0x128: {  	[sflag:s18] =	ssyncset.done $0x0  }
0x129: {  	s9 =	rddreg [dreg:$0x1b];
	[sflag:s18] =	ssyncadd.s32 $0xFFFFC800  }
0x12a: {  	[tilespmem:s13], [sflag:$0x1] =	stream.indirect.gather [hbm4b:s1+s12], $0x80, s9, s12, $0xb8;
	v63 =	vld [tilespmem:$0x0]  }
0x12b: {  	_ =	swait.ge [sflag:s19], $0x3800  }
0x12c: {  	[sflag:s19] =	ssyncset.done $0x0  }
0x12d: {  	[sflag:s19] =	ssyncadd.s32 $0xFFFFC800  }
0x12e: {  	[spmem:s3] =	stream.indirect.scatter.add.f32 [tilespmem:s16], [sflag:$0x6], $0x80, s22, s12, $0xb8;
	v63 =	vld [tilespmem:$0x0]  }
0x12f: {  	_ =	swait.ge [sflag:s20], $0x3800  }
0x130: {  	[sflag:s20] =	ssyncset.done $0x0  }
0x131: {  	[sflag:s20] =	ssyncadd.s32 $0xFFFFC800  }
0x132: {  	[tilespmem:s14], [sflag:$0x2] =	stream.indirect.gather [hbm4b:s1+s12], $0x80, s23, s12, $0xb8;
	v63 =	vld [tilespmem:$0x0]  }
0x133: {  	_ =	swait.ge [sflag:s15], $0x3800  }
0x134: {  	[sflag:s15] =	ssyncset.done $0x0  }
0x135: {  	[sflag:s15] =	ssyncadd.s32 $0xFFFFC800  }
0x136: {  	[spmem:s3] =	stream.indirect.scatter.add.f32 [tilespmem:s13], [sflag:$0x4], $0x80, s24, s12, $0xb8;
	v63 =	vld [tilespmem:$0x0]  }
0x137: {  	_ =	swait.ge [sflag:s21], $0x3800  }
0x138: {  	[sflag:s21] =	ssyncset.done $0x0  }
0x139: {  	[sflag:s21] =	ssyncadd.s32 $0xFFFFC800  }
0x13a: {  	[tilespmem:s16], [sflag:$0x3] =	stream.indirect.gather [hbm4b:s1+s12], $0x80, s25, s12, $0xb8;
	v63 =	vld [tilespmem:$0x0]  }
0x13b: {  	_ =	swait.ge [sflag:s17], $0x3800  }
0x13c: {  	[sflag:s17] =	ssyncset.done $0x0  }
0x13d: {  	[sflag:s17] =	ssyncadd.s32 $0xFFFFC800  }
0x13e: {  	[spmem:s3] =	stream.indirect.scatter.add.f32 [tilespmem:s14], [sflag:$0x5], $0x80, s26, s12, $0xb8;
	v63 =	vld [tilespmem:$0x0]  }
0x13f: {  	_ =	swait.ge [sflag:s18], $0x3800  }
0x140: {  	[sflag:s18] =	ssyncset.done $0x0  }
0x141: {  	[sflag:s18] =	ssyncadd.s32 $0xFFFFC800  }
0x142: {  	[tilespmem:s13], [sflag:$0x1] =	stream.indirect.gather [hbm4b:s1+s12], $0x80, s28, s12, $0xb8;
	v63 =	vld [tilespmem:$0x0]  }
0x143: {  	_ =	swait.ge [sflag:s19], $0x3800  }
0x144: {  	[sflag:s19] =	ssyncset.done $0x0  }
0x145: {  	[sflag:s19] =	ssyncadd.s32 $0xFFFFC800  }
0x146: {  	[spmem:s3] =	stream.indirect.scatter.add.f32 [tilespmem:s16], [sflag:$0x6], $0x80, s29, s12, $0xb8;
	v63 =	vld [tilespmem:$0x0]  }
0x147: {  	_ =	swait.ge [sflag:s20], $0x3800  }
0x148: {  	[sflag:s20] =	ssyncset.done $0x0  }
0x149: {  	[sflag:s20] =	ssyncadd.s32 $0xFFFFC800  }
0x14a: {  	[tilespmem:s14], [sflag:$0x2] =	stream.indirect.gather [hbm4b:s1+s12], $0x80, s30, s12, $0xb8;
	v63 =	vld [tilespmem:$0x0]  }
0x14b: {  	_ =	swait.ge [sflag:s15], $0x3800  }
0x14c: {  	[sflag:s15] =	ssyncset.done $0x0  }
0x14d: {  	[sflag:s15] =	ssyncadd.s32 $0xFFFFC800  }
0x14e: {  	[spmem:s3] =	stream.indirect.scatter.add.f32 [tilespmem:s13], [sflag:$0x4], $0x80, s31, s12, $0xb8;
	v63 =	vld [tilespmem:$0x0]  }
0x14f: {  	_ =	swait.ge [sflag:s21], $0x3800  }
0x150: {  	[sflag:s21] =	ssyncset.done $0x0  }
0x151: {  	[sflag:s21] =	ssyncadd.s32 $0xFFFFC800  }
0x152: {  	[tilespmem:s16], [sflag:$0x3] =	stream.indirect.gather [hbm4b:s1+s12], $0x80, s2, s12, $0xb8;
	v63 =	vld [tilespmem:$0x0]  }
0x153: {  	_ =	swait.ge [sflag:s17], $0x3800  }
0x154: {  	[sflag:s17] =	ssyncset.done $0x0  }
0x155: {  	[sflag:s17] =	ssyncadd.s32 $0xFFFFC800  }
0x156: {  	[spmem:s3] =	stream.indirect.scatter.add.f32 [tilespmem:s14], [sflag:$0x5], $0x80, s0, s12, $0xb8;
	v63 =	vld [tilespmem:$0x0]  }
0x157: {  	_ =	swait.ge [sflag:s18], $0x3800  }
0x158: {  	[sflag:s18] =	ssyncset.done $0x0  }
0x159: {  	[sflag:s18] =	ssyncadd.s32 $0xFFFFC800  }
0x15a: {  	_ =	swait.ge [sflag:s19], $0x3800  }
0x15b: {  	[sflag:s19] =	ssyncset.done $0x0  }
0x15c: {  	p0 =	sne.s32 s6, $0x600;
	[sflag:s19] =	ssyncadd.s32 $0xFFFFC800  }
0x15d: {  	[spmem:s3] =	stream.indirect.scatter.add.f32 [tilespmem:s16], [sflag:$0x6], $0x80, s5, s12, $0xb8;
	v63 =	vld [tilespmem:$0x0]  }
.Ltmp0:
0x15e: {  	_ =	swait.ge [sflag:s20], $0x3800;
	(pc) =	sbr.rel @p0 .LBB2_2-.Ltmp0, $4  }
0x15f: {  	[sflag:s20] =	ssyncset.done $0x0  }
0x160: {  	[sflag:s20] =	ssyncadd.s32 $0xFFFFC800  }
0x161: {  	s7 =	smov.u32 s6;
	s6 =	sadd.s32 $0x180, s6;
	_ =	swait.ge [sflag:s21], $0x3800  }
0x162: {  	s8 =	smov.u32 s7;
	s9 =	rddreg [dreg:$0x5];
	[sflag:s21] =	ssyncset.done $0x0  }
0x163: {  	[sflag:s21] =	ssyncadd.s32 $0xFFFFC800;
	s6 =	sadd.s32 s8, s9  }
0x164: {  	[tilespmem:s4], [sflag:$0x7] =	stream.linear.gather [hbm4b:s6+s4], $0x900, $0x38;
	v63 =	vld [tilespmem:$0x0]  }
0x165: {  	_ =	swait.ge [sflag:s10], $0x900  }
0x166: {  	s7 =	rddreg [dreg:$0x4];
	[sflag:s10] =	ssyncset.done $0x0  }
0x167: {  	s6 =	sadd.s32 s8, s7;
	[sflag:s10] =	ssyncadd.s32 $0xFFFFF700  }
0x168: {  	[tilespmem:s11], [sflag:$0x7] =	stream.linear.gather [hbm4b:s6+s4], $0x900, $0x38;
	v63 =	vld [tilespmem:$0x0]  }
0x169: {  	_ =	swait.ge [sflag:s10], $0x900  }
0x16a: {  	[sflag:s10] =	ssyncset.done $0x0  }
0x16b: {  	[sflag:s10] =	ssyncadd.s32 $0xFFFFF700  }
0x16c: {  	[tilespmem:s13], [sflag:$0x1] =	stream.indirect.gather [hbm4b:s1+s12], $0x80, s4, s12, $0xb8;
	v63 =	vld [tilespmem:$0x0]  }
0x16d: {  	s8 =	rddreg [dreg:$0x6]  }
0x16e: {  	[tilespmem:s14], [sflag:$0x2] =	stream.indirect.gather [hbm4b:s1+s12], $0x80, s8, s12, $0xb8;
	v63 =	vld [tilespmem:$0x0]  }
0x16f: {  	_ =	swait.ge [sflag:s15], $0x3800  }
0x170: {  	[sflag:s15] =	ssyncset.done $0x0  }
0x171: {  	[sflag:s15] =	ssyncadd.s32 $0xFFFFC800  }
0x172: {  	[spmem:s3] =	stream.indirect.scatter.add.f32 [tilespmem:s13], [sflag:$0x4], $0x80, s11, s12, $0xb8;
	v63 =	vld [tilespmem:$0x0]  }
0x173: {  	s9 =	rddreg [dreg:$0x7]  }
0x174: {  	[tilespmem:s16], [sflag:$0x3] =	stream.indirect.gather [hbm4b:s1+s12], $0x80, s9, s12, $0xb8;
	v63 =	vld [tilespmem:$0x0]  }
0x175: {  	_ =	swait.ge [sflag:s17], $0x3800  }
0x176: {  	[sflag:s17] =	ssyncset.done $0x0  }
0x177: {  	s7 =	rddreg [dreg:$0x8];
	[sflag:s17] =	ssyncadd.s32 $0xFFFFC800  }
0x178: {  	[spmem:s3] =	stream.indirect.scatter.add.f32 [tilespmem:s14], [sflag:$0x5], $0x80, s7, s12, $0xb8;
	v63 =	vld [tilespmem:$0x0]  }
0x179: {  	_ =	swait.ge [sflag:s18], $0x3800  }
0x17a: {  	[sflag:s18] =	ssyncset.done $0x0  }
0x17b: {  	s8 =	rddreg [dreg:$0x9];
	[sflag:s18] =	ssyncadd.s32 $0xFFFFC800  }
0x17c: {  	[tilespmem:s13], [sflag:$0x1] =	stream.indirect.gather [hbm4b:s1+s12], $0x80, s8, s12, $0xb8;
	v63 =	vld [tilespmem:$0x0]  }
0x17d: {  	_ =	swait.ge [sflag:s19], $0x3800  }
0x17e: {  	[sflag:s19] =	ssyncset.done $0x0  }
0x17f: {  	s9 =	rddreg [dreg:$0xa];
	[sflag:s19] =	ssyncadd.s32 $0xFFFFC800  }
0x180: {  	[spmem:s3] =	stream.indirect.scatter.add.f32 [tilespmem:s16], [sflag:$0x6], $0x80, s9, s12, $0xb8;
	v63 =	vld [tilespmem:$0x0]  }
0x181: {  	_ =	swait.ge [sflag:s20], $0x3800  }
0x182: {  	[sflag:s20] =	ssyncset.done $0x0  }
0x183: {  	s7 =	rddreg [dreg:$0xb];
	[sflag:s20] =	ssyncadd.s32 $0xFFFFC800  }
0x184: {  	[tilespmem:s14], [sflag:$0x2] =	stream.indirect.gather [hbm4b:s1+s12], $0x80, s7, s12, $0xb8;
	v63 =	vld [tilespmem:$0x0]  }
0x185: {  	_ =	swait.ge [sflag:s15], $0x3800  }
0x186: {  	[sflag:s15] =	ssyncset.done $0x0  }
0x187: {  	s8 =	rddreg [dreg:$0xc];
	[sflag:s15] =	ssyncadd.s32 $0xFFFFC800  }
0x188: {  	[spmem:s3] =	stream.indirect.scatter.add.f32 [tilespmem:s13], [sflag:$0x4], $0x80, s8, s12, $0xb8;
	v63 =	vld [tilespmem:$0x0]  }
0x189: {  	_ =	swait.ge [sflag:s21], $0x3800  }
0x18a: {  	[sflag:s21] =	ssyncset.done $0x0  }
0x18b: {  	s9 =	rddreg [dreg:$0xd];
	[sflag:s21] =	ssyncadd.s32 $0xFFFFC800  }
0x18c: {  	[tilespmem:s16], [sflag:$0x3] =	stream.indirect.gather [hbm4b:s1+s12], $0x80, s9, s12, $0xb8;
	v63 =	vld [tilespmem:$0x0]  }
0x18d: {  	_ =	swait.ge [sflag:s17], $0x3800  }
0x18e: {  	[sflag:s17] =	ssyncset.done $0x0  }
0x18f: {  	s7 =	rddreg [dreg:$0xe];
	[sflag:s17] =	ssyncadd.s32 $0xFFFFC800  }
0x190: {  	[spmem:s3] =	stream.indirect.scatter.add.f32 [tilespmem:s14], [sflag:$0x5], $0x80, s7, s12, $0xb8;
	v63 =	vld [tilespmem:$0x0]  }
0x191: {  	_ =	swait.ge [sflag:s18], $0x3800  }
0x192: {  	[sflag:s18] =	ssyncset.done $0x0  }
0x193: {  	s8 =	rddreg [dreg:$0xf];
	[sflag:s18] =	ssyncadd.s32 $0xFFFFC800  }
0x194: {  	[tilespmem:s13], [sflag:$0x1] =	stream.indirect.gather [hbm4b:s1+s12], $0x80, s8, s12, $0xb8;
	v63 =	vld [tilespmem:$0x0]  }
0x195: {  	_ =	swait.ge [sflag:s19], $0x3800  }
0x196: {  	[sflag:s19] =	ssyncset.done $0x0  }
0x197: {  	s9 =	rddreg [dreg:$0x10];
	[sflag:s19] =	ssyncadd.s32 $0xFFFFC800  }
0x198: {  	[spmem:s3] =	stream.indirect.scatter.add.f32 [tilespmem:s16], [sflag:$0x6], $0x80, s9, s12, $0xb8;
	v63 =	vld [tilespmem:$0x0]  }
0x199: {  	_ =	swait.ge [sflag:s20], $0x3800  }
0x19a: {  	[sflag:s20] =	ssyncset.done $0x0  }
0x19b: {  	s7 =	rddreg [dreg:$0x11];
	[sflag:s20] =	ssyncadd.s32 $0xFFFFC800  }
0x19c: {  	[tilespmem:s14], [sflag:$0x2] =	stream.indirect.gather [hbm4b:s1+s12], $0x80, s7, s12, $0xb8;
	v63 =	vld [tilespmem:$0x0]  }
0x19d: {  	_ =	swait.ge [sflag:s15], $0x3800  }
0x19e: {  	[sflag:s15] =	ssyncset.done $0x0  }
0x19f: {  	s8 =	rddreg [dreg:$0x12];
	[sflag:s15] =	ssyncadd.s32 $0xFFFFC800  }
0x1a0: {  	[spmem:s3] =	stream.indirect.scatter.add.f32 [tilespmem:s13], [sflag:$0x4], $0x80, s8, s12, $0xb8;
	v63 =	vld [tilespmem:$0x0]  }
0x1a1: {  	_ =	swait.ge [sflag:s21], $0x3800  }
0x1a2: {  	[sflag:s21] =	ssyncset.done $0x0  }
0x1a3: {  	s9 =	rddreg [dreg:$0x13];
	[sflag:s21] =	ssyncadd.s32 $0xFFFFC800  }
0x1a4: {  	[tilespmem:s16], [sflag:$0x3] =	stream.indirect.gather [hbm4b:s1+s12], $0x80, s9, s12, $0xb8;
	v63 =	vld [tilespmem:$0x0]  }
0x1a5: {  	_ =	swait.ge [sflag:s17], $0x3800  }
0x1a6: {  	[sflag:s17] =	ssyncset.done $0x0  }
0x1a7: {  	s7 =	rddreg [dreg:$0x14];
	[sflag:s17] =	ssyncadd.s32 $0xFFFFC800  }
0x1a8: {  	[spmem:s3] =	stream.indirect.scatter.add.f32 [tilespmem:s14], [sflag:$0x5], $0x80, s7, s12, $0xb8;
	v63 =	vld [tilespmem:$0x0]  }
0x1a9: {  	_ =	swait.ge [sflag:s18], $0x3800  }
0x1aa: {  	[sflag:s18] =	ssyncset.done $0x0  }
0x1ab: {  	s8 =	rddreg [dreg:$0x15];
	[sflag:s18] =	ssyncadd.s32 $0xFFFFC800  }
0x1ac: {  	[tilespmem:s13], [sflag:$0x1] =	stream.indirect.gather [hbm4b:s1+s12], $0x80, s8, s12, $0xb8;
	v63 =	vld [tilespmem:$0x0]  }
0x1ad: {  	_ =	swait.ge [sflag:s19], $0x3800  }
0x1ae: {  	[sflag:s19] =	ssyncset.done $0x0  }
0x1af: {  	s9 =	rddreg [dreg:$0x16];
	[sflag:s19] =	ssyncadd.s32 $0xFFFFC800  }
0x1b0: {  	[spmem:s3] =	stream.indirect.scatter.add.f32 [tilespmem:s16], [sflag:$0x6], $0x80, s9, s12, $0xb8;
	v63 =	vld [tilespmem:$0x0]  }
0x1b1: {  	_ =	swait.ge [sflag:s20], $0x3800  }
0x1b2: {  	[sflag:s20] =	ssyncset.done $0x0  }
0x1b3: {  	s7 =	rddreg [dreg:$0x17];
	[sflag:s20] =	ssyncadd.s32 $0xFFFFC800  }
0x1b4: {  	[tilespmem:s14], [sflag:$0x2] =	stream.indirect.gather [hbm4b:s1+s12], $0x80, s7, s12, $0xb8;
	v63 =	vld [tilespmem:$0x0]  }
0x1b5: {  	_ =	swait.ge [sflag:s15], $0x3800  }
0x1b6: {  	[sflag:s15] =	ssyncset.done $0x0  }
0x1b7: {  	s8 =	rddreg [dreg:$0x18];
	[sflag:s15] =	ssyncadd.s32 $0xFFFFC800  }
0x1b8: {  	[spmem:s3] =	stream.indirect.scatter.add.f32 [tilespmem:s13], [sflag:$0x4], $0x80, s8, s12, $0xb8;
	v63 =	vld [tilespmem:$0x0]  }
0x1b9: {  	_ =	swait.ge [sflag:s21], $0x3800  }
0x1ba: {  	[sflag:s21] =	ssyncset.done $0x0  }
0x1bb: {  	s9 =	rddreg [dreg:$0x19];
	[sflag:s21] =	ssyncadd.s32 $0xFFFFC800  }
0x1bc: {  	[tilespmem:s16], [sflag:$0x3] =	stream.indirect.gather [hbm4b:s1+s12], $0x80, s9, s12, $0xb8;
	v63 =	vld [tilespmem:$0x0]  }
0x1bd: {  	_ =	swait.ge [sflag:s17], $0x3800  }
0x1be: {  	[sflag:s17] =	ssyncset.done $0x0  }
0x1bf: {  	s7 =	rddreg [dreg:$0x1a];
	[sflag:s17] =	ssyncadd.s32 $0xFFFFC800  }
0x1c0: {  	[spmem:s3] =	stream.indirect.scatter.add.f32 [tilespmem:s14], [sflag:$0x5], $0x80, s7, s12, $0xb8;
	v63 =	vld [tilespmem:$0x0]  }
0x1c1: {  	_ =	swait.ge [sflag:s18], $0x3800  }
0x1c2: {  	[sflag:s18] =	ssyncset.done $0x0  }
0x1c3: {  	s8 =	rddreg [dreg:$0x1b];
	[sflag:s18] =	ssyncadd.s32 $0xFFFFC800  }
0x1c4: {  	[tilespmem:s13], [sflag:$0x1] =	stream.indirect.gather [hbm4b:s1+s12], $0x80, s8, s12, $0xb8;
	v63 =	vld [tilespmem:$0x0]  }
0x1c5: {  	_ =	swait.ge [sflag:s19], $0x3800  }
0x1c6: {  	[sflag:s19] =	ssyncset.done $0x0  }
0x1c7: {  	[sflag:s19] =	ssyncadd.s32 $0xFFFFC800  }
0x1c8: {  	[spmem:s3] =	stream.indirect.scatter.add.f32 [tilespmem:s16], [sflag:$0x6], $0x80, s22, s12, $0xb8;
	v63 =	vld [tilespmem:$0x0]  }
0x1c9: {  	_ =	swait.ge [sflag:s20], $0x3800  }
0x1ca: {  	[sflag:s20] =	ssyncset.done $0x0  }
0x1cb: {  	[sflag:s20] =	ssyncadd.s32 $0xFFFFC800  }
0x1cc: {  	[tilespmem:s14], [sflag:$0x2] =	stream.indirect.gather [hbm4b:s1+s12], $0x80, s23, s12, $0xb8;
	v63 =	vld [tilespmem:$0x0]  }
0x1cd: {  	_ =	swait.ge [sflag:s15], $0x3800  }
0x1ce: {  	[sflag:s15] =	ssyncset.done $0x0  }
0x1cf: {  	[sflag:s15] =	ssyncadd.s32 $0xFFFFC800  }
0x1d0: {  	[spmem:s3] =	stream.indirect.scatter.add.f32 [tilespmem:s13], [sflag:$0x4], $0x80, s24, s12, $0xb8;
	v63 =	vld [tilespmem:$0x0]  }
0x1d1: {  	_ =	swait.ge [sflag:s21], $0x3800  }
0x1d2: {  	[sflag:s21] =	ssyncset.done $0x0  }
0x1d3: {  	[sflag:s21] =	ssyncadd.s32 $0xFFFFC800  }
0x1d4: {  	[tilespmem:s16], [sflag:$0x3] =	stream.indirect.gather [hbm4b:s1+s12], $0x80, s25, s12, $0xb8;
	v63 =	vld [tilespmem:$0x0]  }
0x1d5: {  	_ =	swait.ge [sflag:s17], $0x3800  }
0x1d6: {  	[sflag:s17] =	ssyncset.done $0x0  }
0x1d7: {  	[sflag:s17] =	ssyncadd.s32 $0xFFFFC800  }
0x1d8: {  	[spmem:s3] =	stream.indirect.scatter.add.f32 [tilespmem:s14], [sflag:$0x5], $0x80, s26, s12, $0xb8;
	v63 =	vld [tilespmem:$0x0]  }
0x1d9: {  	_ =	swait.ge [sflag:s18], $0x3800  }
0x1da: {  	[sflag:s18] =	ssyncset.done $0x0  }
0x1db: {  	[sflag:s18] =	ssyncadd.s32 $0xFFFFC800  }
0x1dc: {  	[tilespmem:s13], [sflag:$0x1] =	stream.indirect.gather [hbm4b:s1+s12], $0x80, s28, s12, $0xb8;
	v63 =	vld [tilespmem:$0x0]  }
0x1dd: {  	_ =	swait.ge [sflag:s19], $0x3800  }
0x1de: {  	[sflag:s19] =	ssyncset.done $0x0  }
0x1df: {  	[sflag:s19] =	ssyncadd.s32 $0xFFFFC800  }
0x1e0: {  	[spmem:s3] =	stream.indirect.scatter.add.f32 [tilespmem:s16], [sflag:$0x6], $0x80, s29, s12, $0xb8;
	v63 =	vld [tilespmem:$0x0]  }
0x1e1: {  	_ =	swait.ge [sflag:s20], $0x3800  }
0x1e2: {  	[sflag:s20] =	ssyncset.done $0x0  }
0x1e3: {  	[sflag:s20] =	ssyncadd.s32 $0xFFFFC800  }
0x1e4: {  	[tilespmem:s14], [sflag:$0x2] =	stream.indirect.gather [hbm4b:s1+s12], $0x80, s30, s12, $0xb8;
	v63 =	vld [tilespmem:$0x0]  }
0x1e5: {  	_ =	swait.ge [sflag:s15], $0x3800  }
0x1e6: {  	[sflag:s15] =	ssyncset.done $0x0  }
0x1e7: {  	[sflag:s15] =	ssyncadd.s32 $0xFFFFC800  }
0x1e8: {  	[spmem:s3] =	stream.indirect.scatter.add.f32 [tilespmem:s13], [sflag:$0x4], $0x80, s31, s12, $0xb8;
	v63 =	vld [tilespmem:$0x0]  }
0x1e9: {  	_ =	swait.ge [sflag:s21], $0x3800  }
0x1ea: {  	[sflag:s21] =	ssyncset.done $0x0  }
0x1eb: {  	[sflag:s21] =	ssyncadd.s32 $0xFFFFC800  }
0x1ec: {  	[tilespmem:s16], [sflag:$0x3] =	stream.indirect.gather [hbm4b:s1+s12], $0x80, s2, s12, $0xb8;
	v63 =	vld [tilespmem:$0x0]  }
0x1ed: {  	_ =	swait.ge [sflag:s17], $0x3800  }
0x1ee: {  	[sflag:s17] =	ssyncset.done $0x0  }
0x1ef: {  	[sflag:s17] =	ssyncadd.s32 $0xFFFFC800  }
0x1f0: {  	[spmem:s3] =	stream.indirect.scatter.add.f32 [tilespmem:s14], [sflag:$0x5], $0x80, s0, s12, $0xb8;
	v63 =	vld [tilespmem:$0x0]  }
0x1f1: {  	_ =	swait.ge [sflag:s18], $0x3800  }
0x1f2: {  	[sflag:s18] =	ssyncset.done $0x0  }
0x1f3: {  	[sflag:s18] =	ssyncadd.s32 $0xFFFFC800  }
0x1f4: {  	_ =	swait.ge [sflag:s19], $0x3800  }
0x1f5: {  	[sflag:s19] =	ssyncset.done $0x0  }
0x1f6: {  	[sflag:s19] =	ssyncadd.s32 $0xFFFFC800  }
0x1f7: {  	[spmem:s3] =	stream.indirect.scatter.add.f32 [tilespmem:s16], [sflag:$0x6], $0x80, s5, s12, $0xb8;
	v63 =	vld [tilespmem:$0x0]  }
0x1f8: {  	_ =	swait.ge [sflag:s20], $0x3800  }
0x1f9: {  	[sflag:s20] =	ssyncset.done $0x0  }
0x1fa: {  	[sflag:s20] =	ssyncadd.s32 $0xFFFFC800  }
0x1fb: {  	_ =	swait.ge [sflag:s21], $0x3800  }
0x1fc: {  	[sflag:s21] =	ssyncset.done $0x0  }
0x1fd: {  	[sflag:s21] =	ssyncadd.s32 $0xFFFFC800  }
0x1fe: {  	[bflag:$0x0] =	sbarrier.arrive $0xFFFF  }
0x1ff: {  	s8 =	sld [smem:$0x7FD]  }
0x200: {  	s7 =	rddreg [dreg:$0x1d]  }
0x201: {  	s9 =	rddreg [dreg:$0x1e]  }
0x202: {  	[hbm:s9], [sflag:s7] =	dma.local [spmem:s8], $0x2800  }
0x203: {  	_ =	swait.ge [sflag:s10], $0x2800  }
0x204: {  	s6 =	sld [smem:$0x7FC];
	_ =	sdelay $0x2  }
0x205: {  	s9 =	sadd.s32 $0x1, s6;
	s6 =	rddreg [dreg:$0x1f]  }
0x206: {  	p0 =	sne.s32 s9, s6  }
.Ltmp1:
0x207: {  	_ = 	snop;
	(pc) =	sbr.rel @p0 .LBB2_1-.Ltmp1, $3  }
0x208: {  	_ =	sdelay $0x1  }
0x209: {  	[sflag:s10] =	ssyncset.done $0x0  }
0x20a: {  	[sflag:s10] =	ssyncadd.s32 $0xFFFFD800  }
0x20b: {  	_ =	sfence.sel $0x180000  }
0x20c: {  	[bflag:$0x0] =	sbarrier.arrive $0xFFFF  }
0x20d: {  	_ =	strace $0x9000004A  }
0x20e: {  	s0 =	stileid.u32;
	[bflag:$0x2] =	sbarrier.arrive $0xFFFF  }
0x20f: {  	p0 =	sne.s32 s0, $0x0;
	s0 =	rddreg [dreg:$0x3]  }
0x210: {  	s0 =	sadd.s32 @!p0 $0x100000, s0  }
0x211: {  	[sflag:s0] =	ssyncadd.tile.s32 @!p0 $0x1;
	_ =	shalt  }
.Lfunc_end2:
_tile_overlayer_lowered:
.L_overlay_start_2:
0x212: {  	(tag) =	ssettag $0x2  }
0x213: {  	s0 =	rddreg [dreg:$0x0];
	s2 =	stileid.u32  }
0x214: {  	s1 =	rddreg [dreg:$0x1];
	p0 =	sne.s32 s2, $0x0  }
0x215: {  	s3 =	rddreg [dreg:$0x2];
	[bflag:$0x3] =	sbarrier.arrive $0xFFFF;
	s2 =	simm.s32 @!p0 $0x1C07  }
0x216: {  	[timem:s3], [sflag:s2] =	dma.local @!p0 [hbm:s0], s1  }
0x217: {  	s0 =	simm.s32 @!p0 $0x7  }
0x218: {  	_ =	swait.ge @!p0 [sflag:s0], s1  }
0x219: {  	s1 =	ssub.s32 @!p0 $0x0, s1;
	[sflag:s0] =	ssyncset.done @!p0 $0x0  }
0x21a: {  	[sflag:s0] =	ssyncadd.s32 @!p0 s1  }
0x21b: {  	[bflag:$0x3] =	sbarrier.arrive $0xFFFF  }
0x21c: {  	_ =	shalt  }

</sc_bundles>
